<compile_context>
chip_gen: v7x
topology: tpu7x:2x2x1
jax: 0.10.2.dev20260603
libtpu: 0.0.44.dev20260713+nightly
codegen_flags: <defaults>
</compile_context>

<pallas_src>
import functools

import jax
import jax.numpy as jnp
from jax import lax
from jax.experimental import pallas as pl
from jax.experimental.pallas import tpu as pltpu
from jax.experimental.pallas import tpu_sc as plsc

N_NODES = 100000
N_EDGES = 3200000

NW = 32
EPW = N_EDGES // NW
C = 10000
NCH = EPW // C

NPAD = 100352
NPT = NPAD // 16
TC_R = NPAD // 128
LANES = 128

_MESH = plsc.VectorSubcoreMesh(core_axis_name="c", subcore_axis_name="s")
_f32 = jnp.float32


@functools.partial(
    pl.kernel,
    out_type=jax.ShapeDtypeStruct((2 * NPAD,), _f32),
    mesh=_MESH,
    scratch_types=[
        pltpu.VMEM((C,), jnp.int32),
        pltpu.VMEM((C,), jnp.int32),
        pltpu.VMEM((C,), _f32),
        pltpu.VMEM_SHARED((NPAD,), _f32),
        pltpu.SemaphoreType.DMA,
        pltpu.SemaphoreType.DMA,
    ],
)
def _deg_kernel(dst_hbm, ones_hbm, zeros_hbm, out_hbm,
                idx0_v, idx1_v, ones_v, acc_sh, sc0, sc1):
    cid = lax.axis_index("c")
    sid = lax.axis_index("s")
    w = sid * 2 + cid
    off = sid * NPT
    pltpu.sync_copy(ones_hbm, ones_v)
    pltpu.sync_copy(zeros_hbm.at[pl.ds(off, NPT)], acc_sh.at[pl.ds(off, NPT)])
    plsc.subcore_barrier()

    e0 = w * EPW
    bufs = ((idx0_v, sc0), (idx1_v, sc1))

    def body(i, carry):
        for b, (idx_v, sc) in enumerate(bufs):
            @pl.when(i > 0)
            def _():
                pltpu.make_async_copy(ones_v, acc_sh.at[idx_v], sc).wait()

            pltpu.sync_copy(dst_hbm.at[pl.ds(e0 + (2 * i + b) * C, C)], idx_v)
            pltpu.async_copy(ones_v, acc_sh.at[idx_v], sc, add=True)
        return carry

    lax.fori_loop(0, NCH // 2, body, 0)
    for idx_v, sc in bufs:
        pltpu.make_async_copy(ones_v, acc_sh.at[idx_v], sc).wait()

    plsc.subcore_barrier()
    pltpu.sync_copy(acc_sh.at[pl.ds(off, NPT)],
                    out_hbm.at[pl.ds(cid * NPAD + off, NPT)])


@functools.partial(
    pl.kernel,
    out_type=jax.ShapeDtypeStruct((2 * NPAD,), _f32),
    mesh=_MESH,
    scratch_types=[
        pltpu.VMEM((C,), jnp.int32),
        pltpu.VMEM((C,), jnp.int32),
        pltpu.VMEM((C,), jnp.int32),
        pltpu.VMEM((C,), jnp.int32),
        pltpu.VMEM((C,), _f32),
        pltpu.VMEM((C,), _f32),
        pltpu.VMEM_SHARED((NPAD,), _f32),
        pltpu.VMEM_SHARED((NPAD,), _f32),
        pltpu.SemaphoreType.DMA,
        pltpu.SemaphoreType.DMA,
    ],
)
def _prop1_kernel(src_hbm, dst_hbm, w_hbm, zeros_hbm, out_hbm,
                  src0_v, src1_v, dst0_v, dst1_v, val0_v, val1_v,
                  tab_sh, acc_sh, sc0, sc1):
    cid = lax.axis_index("c")
    sid = lax.axis_index("s")
    w = sid * 2 + cid
    off = sid * NPT
    pltpu.sync_copy(w_hbm.at[pl.ds(off, NPT)], tab_sh.at[pl.ds(off, NPT)])
    pltpu.sync_copy(zeros_hbm.at[pl.ds(off, NPT)], acc_sh.at[pl.ds(off, NPT)])
    plsc.subcore_barrier()

    e0 = w * EPW
    bufs = ((src0_v, dst0_v, val0_v, sc0), (src1_v, dst1_v, val1_v, sc1))

    def body(i, carry):
        for b, (src_v, dst_v, val_v, sc) in enumerate(bufs):
            @pl.when(i > 0)
            def _():
                pltpu.make_async_copy(val_v, acc_sh.at[dst_v], sc).wait()

            k0 = e0 + (2 * i + b) * C
            pltpu.sync_copy(src_hbm.at[pl.ds(k0, C)], src_v)
            pltpu.sync_copy(dst_hbm.at[pl.ds(k0, C)], dst_v)
            pltpu.sync_copy(tab_sh.at[src_v], val_v)
            pltpu.async_copy(val_v, acc_sh.at[dst_v], sc, add=True)
        return carry

    lax.fori_loop(0, NCH // 2, body, 0)
    for src_v, dst_v, val_v, sc in bufs:
        pltpu.make_async_copy(val_v, acc_sh.at[dst_v], sc).wait()

    plsc.subcore_barrier()
    pltpu.sync_copy(acc_sh.at[pl.ds(off, NPT)],
                    out_hbm.at[pl.ds(cid * NPAD + off, NPT)])


@functools.partial(
    pl.kernel,
    out_type=jax.ShapeDtypeStruct((4 * NPAD,), _f32),
    mesh=_MESH,
    scratch_types=[
        pltpu.VMEM((C,), jnp.int32),
        pltpu.VMEM((C,), jnp.int32),
        pltpu.VMEM((C,), jnp.int32),
        pltpu.VMEM((C,), jnp.int32),
        pltpu.VMEM((C,), _f32),
        pltpu.VMEM((C,), _f32),
        pltpu.VMEM((C,), _f32),
        pltpu.VMEM((C,), _f32),
        pltpu.VMEM_SHARED((NPAD,), _f32),
        pltpu.VMEM_SHARED((NPAD,), _f32),
        pltpu.VMEM_SHARED((NPAD,), _f32),
        pltpu.VMEM_SHARED((NPAD,), _f32),
        pltpu.SemaphoreType.DMA,
        pltpu.SemaphoreType.DMA,
        pltpu.SemaphoreType.DMA,
        pltpu.SemaphoreType.DMA,
    ],
)
def _prop2_kernel(src_hbm, dst_hbm, wa_hbm, wb_hbm, zeros_hbm, out_hbm,
                  src0_v, src1_v, dst0_v, dst1_v,
                  va0_v, va1_v, vb0_v, vb1_v,
                  taba_sh, tabb_sh, acca_sh, accb_sh,
                  sa0, sa1, sb0, sb1):
    cid = lax.axis_index("c")
    sid = lax.axis_index("s")
    w = sid * 2 + cid
    off = sid * NPT
    pltpu.sync_copy(wa_hbm.at[pl.ds(off, NPT)], taba_sh.at[pl.ds(off, NPT)])
    pltpu.sync_copy(wb_hbm.at[pl.ds(off, NPT)], tabb_sh.at[pl.ds(off, NPT)])
    pltpu.sync_copy(zeros_hbm.at[pl.ds(off, NPT)], acca_sh.at[pl.ds(off, NPT)])
    pltpu.sync_copy(zeros_hbm.at[pl.ds(off, NPT)], accb_sh.at[pl.ds(off, NPT)])
    plsc.subcore_barrier()

    e0 = w * EPW
    bufs = ((src0_v, dst0_v, va0_v, vb0_v, sa0, sb0),
            (src1_v, dst1_v, va1_v, vb1_v, sa1, sb1))

    def body(i, carry):
        for b, (src_v, dst_v, va_v, vb_v, sa, sb) in enumerate(bufs):
            @pl.when(i > 0)
            def _():
                pltpu.make_async_copy(va_v, acca_sh.at[dst_v], sa).wait()
                pltpu.make_async_copy(vb_v, accb_sh.at[dst_v], sb).wait()

            k0 = e0 + (2 * i + b) * C
            pltpu.sync_copy(src_hbm.at[pl.ds(k0, C)], src_v)
            pltpu.sync_copy(dst_hbm.at[pl.ds(k0, C)], dst_v)
            pltpu.sync_copy(taba_sh.at[src_v], va_v)
            pltpu.sync_copy(tabb_sh.at[src_v], vb_v)
            pltpu.async_copy(va_v, acca_sh.at[dst_v], sa, add=True)
            pltpu.async_copy(vb_v, accb_sh.at[dst_v], sb, add=True)
        return carry

    lax.fori_loop(0, NCH // 2, body, 0)
    for src_v, dst_v, va_v, vb_v, sa, sb in bufs:
        pltpu.make_async_copy(va_v, acca_sh.at[dst_v], sa).wait()
        pltpu.make_async_copy(vb_v, accb_sh.at[dst_v], sb).wait()

    plsc.subcore_barrier()
    pltpu.sync_copy(acca_sh.at[pl.ds(off, NPT)],
                    out_hbm.at[pl.ds(cid * NPAD + off, NPT)])
    pltpu.sync_copy(accb_sh.at[pl.ds(off, NPT)],
                    out_hbm.at[pl.ds((2 + cid) * NPAD + off, NPT)])


def _tc_prep_body(deg_ref, x_ref, dinv_ref, w_ref):
    d = deg_ref[0] + deg_ref[1] + 1.0
    dinv = lax.rsqrt(d)
    dinv_ref[...] = dinv
    w_ref[...] = dinv * x_ref[...]


def _tc_layer1_body(g1_ref, w_ref, dinv_ref, w1_ref, b1_ref, wa_ref, wb_ref):
    dinv = dinv_ref[...]
    p1 = dinv * (g1_ref[0] + g1_ref[1] + w_ref[...])
    ha = jnp.maximum(p1 * w1_ref[0, 0] + b1_ref[0, 0], 0.0)
    hb = jnp.maximum(p1 * w1_ref[0, 1] + b1_ref[0, 1], 0.0)
    wa_ref[...] = dinv * ha
    wb_ref[...] = dinv * hb


def _tc_final_body(g2_ref, wa_ref, wb_ref, dinv_ref, w2_ref, b2_ref,
                   oa_ref, ob_ref):
    dinv = dinv_ref[...]
    ua = dinv * (g2_ref[0] + g2_ref[1] + wa_ref[...])
    ub = dinv * (g2_ref[2] + g2_ref[3] + wb_ref[...])
    oa_ref[...] = ua * w2_ref[0, 0] + ub * w2_ref[1, 0] + b2_ref[0, 0]
    ob_ref[...] = ua * w2_ref[0, 1] + ub * w2_ref[1, 1] + b2_ref[0, 1]


def _vspec():
    return pl.BlockSpec(memory_space=pltpu.VMEM)


def _sspec():
    return pl.BlockSpec(memory_space=pltpu.SMEM)


def kernel(x, edge_index, W1, b1, W2, b2):
    n = x.shape[0]
    assert n == N_NODES and edge_index.shape[1] == N_EDGES
    src = edge_index[0].astype(jnp.int32)
    dst = edge_index[1].astype(jnp.int32)
    xp = jnp.pad(x[:, 0], (0, NPAD - n))
    zeros = jnp.zeros((NPAD,), _f32)
    ones = jnp.ones((C,), _f32)

    degp = _deg_kernel(dst, ones, zeros)

    dinv, w1v = pl.pallas_call(
        _tc_prep_body,
        out_shape=[jax.ShapeDtypeStruct((TC_R, LANES), _f32)] * 2,
        in_specs=[_vspec(), _vspec()],
        out_specs=[_vspec(), _vspec()],
    )(degp.reshape(2, TC_R, LANES), xp.reshape(TC_R, LANES))

    g1p = _prop1_kernel(src, dst, w1v.reshape(NPAD), zeros)

    w2a, w2b = pl.pallas_call(
        _tc_layer1_body,
        out_shape=[jax.ShapeDtypeStruct((TC_R, LANES), _f32)] * 2,
        in_specs=[_vspec(), _vspec(), _vspec(), _sspec(), _sspec()],
        out_specs=[_vspec(), _vspec()],
    )(g1p.reshape(2, TC_R, LANES), w1v, dinv,
      W1.reshape(1, 2), b1.reshape(1, 2))

    g2p = _prop2_kernel(src, dst, w2a.reshape(NPAD), w2b.reshape(NPAD), zeros)

    oa, ob = pl.pallas_call(
        _tc_final_body,
        out_shape=[jax.ShapeDtypeStruct((TC_R, LANES), _f32)] * 2,
        in_specs=[_vspec()] * 4 + [_sspec(), _sspec()],
        out_specs=[_vspec(), _vspec()],
    )(g2p.reshape(4, TC_R, LANES), w2a, w2b, dinv,
      W2.reshape(2, 2), b2.reshape(1, 2))

    return jnp.stack([oa.reshape(NPAD)[:n], ob.reshape(NPAD)[:n]], axis=-1)

# --- scband reference (transcript-rebuilt; emitter-appended) ---
"""Pipeline reference for scband-gcn-1554778161807 (READ-ONLY COPY).

The authoritative reference and input builder live on the scoring server;
editing this copy changes nothing except your own understanding.
"""

import jax, jax.numpy as jnp
import numpy as np

N_NODES = 100000
N_EDGES = 3200000

def gcn_conv(x, edge_index, W, b):
    N = x.shape[0]
    src = edge_index[0]
    dst = edge_index[1]
    loop = jnp.arange(N, dtype=src.dtype)
    src = jnp.concatenate([src, loop])
    dst = jnp.concatenate([dst, loop])
    deg = jnp.zeros((N,), dtype=x.dtype).at[dst].add(1.0)
    dinv = jnp.where(deg > 0, 1.0 / jnp.sqrt(deg), 0.0)
    norm = dinv[src] * dinv[dst]
    h = x @ W
    msg = h[src] * norm[:, None]
    out = jnp.zeros((N, W.shape[1]), dtype=x.dtype).at[dst].add(msg)
    return out + b

def setup_inputs(seed: int = 0) -> dict:
    key = jax.random.key(seed)
    k1, k2, k3, k4, k5, k6 = jax.random.split(key, 6)
    x = jax.random.normal(k1, (N_NODES, 1), dtype=jnp.float32)
    edge_index = jax.random.randint(k2, (2, N_EDGES), 0, N_NODES, dtype=jnp.int64)
    W1 = jax.random.normal(k3, (1, 2), dtype=jnp.float32) * (1.0 / np.sqrt(1.0))
    b1 = jnp.zeros((2,), dtype=jnp.float32)
    W2 = jax.random.normal(k4, (2, 2), dtype=jnp.float32) * (1.0 / np.sqrt(2.0))
    b2 = jnp.zeros((2,), dtype=jnp.float32)
    return {"x": x, "edge_index": edge_index, "W1": W1, "b1": b1, "W2": W2, "b2": b2}

def reference(x, edge_index, W1, b1, W2, b2):
    h = gcn_conv(x, edge_index, W1, b1)
    h = jax.nn.relu(h)
    out = gcn_conv(h, edge_index, W2, b2)
    return out

if __name__ == "__main__":
    import jax
    _d = setup_inputs()
    print(jax.jit(kernel)(*tuple(_d.values())))

</pallas_src>

<mosaic_0001>
#map = affine_map<(d0, d1) -> (0)>
module attributes {stable_mosaic.version = 14 : i64} {
  func.func @_prop2_kernel(%arg0: i32, %arg1: i32, %arg2: memref<3200000xi32, #tpu.memory_space<hbm>>, %arg3: memref<3200000xi32, #tpu.memory_space<hbm>>, %arg4: memref<100352xf32, #tpu.memory_space<hbm>>, %arg5: memref<100352xf32, #tpu.memory_space<hbm>>, %arg6: memref<100352xf32, #tpu.memory_space<hbm>>, %arg7: memref<401408xf32, #tpu.memory_space<hbm>>, %arg8: memref<10000xi32, #tpu.memory_space<vmem>>, %arg9: memref<10000xi32, #tpu.memory_space<vmem>>, %arg10: memref<10000xi32, #tpu.memory_space<vmem>>, %arg11: memref<10000xi32, #tpu.memory_space<vmem>>, %arg12: memref<10000xf32, #tpu.memory_space<vmem>>, %arg13: memref<10000xf32, #tpu.memory_space<vmem>>, %arg14: memref<10000xf32, #tpu.memory_space<vmem>>, %arg15: memref<10000xf32, #tpu.memory_space<vmem>>, %arg16: memref<100352xf32, #tpu.memory_space<vmem_shared>>, %arg17: memref<100352xf32, #tpu.memory_space<vmem_shared>>, %arg18: memref<100352xf32, #tpu.memory_space<vmem_shared>>, %arg19: memref<100352xf32, #tpu.memory_space<vmem_shared>>, %arg20: memref<!tpu.dma_semaphore, #tpu.memory_space<semaphore_mem>>, %arg21: memref<!tpu.dma_semaphore, #tpu.memory_space<semaphore_mem>>, %arg22: memref<!tpu.dma_semaphore, #tpu.memory_space<semaphore_mem>>, %arg23: memref<!tpu.dma_semaphore, #tpu.memory_space<semaphore_mem>>) attributes {dimension_semantics = [#tpu.dimension_semantics<core_parallel>, #tpu.dimension_semantics<subcore_parallel>], iteration_bounds = array<i64: 2, 16>, scalar_prefetch = 0 : i64, scratch_operands = 16 : i64, tpu.core_type = #tpu.core_type<sc_vector_subcore>, window_params = [{transform_indices = #map}, {transform_indices = #map}, {transform_indices = #map}, {transform_indices = #map}, {transform_indices = #map}, {transform_indices = #map}]} {
    %mul3A = arith.constant 2 : i32
    %mul3A_0 = arith.muli %arg1, %mul3A : i32
    %add3A = arith.addi %mul3A_0, %arg0 : i32
    %mul3A_1 = arith.constant 6272 : i32
    %mul3A_2 = arith.muli %arg1, %mul3A_1 : i32
    "tpu.region"() ({
      %run_scoped3A = tpu.sem_alloc : memref<!tpu.dma_semaphore, #tpu.memory_space<semaphore_mem>>
      %dma_start3A = tpu.memref_slice %arg16[%mul3A_2] : memref<100352xf32, #tpu.memory_space<vmem_shared>> -> memref<6272xf32, #tpu.memory_space<vmem_shared>>
      %dma_start3A_26 = tpu.memref_slice %arg4[%mul3A_2] : memref<100352xf32, #tpu.memory_space<hbm>> -> memref<6272xf32, #tpu.memory_space<hbm>>
      tpu.enqueue_dma source(%dma_start3A_26 : memref<6272xf32, #tpu.memory_space<hbm>>) target(%dma_start3A : memref<6272xf32, #tpu.memory_space<vmem_shared>>) target_semaphore(%run_scoped3A : memref<!tpu.dma_semaphore, #tpu.memory_space<semaphore_mem>>)
      %dma_wait3A_27 = tpu.memref_slice %arg16[%mul3A_2] : memref<100352xf32, #tpu.memory_space<vmem_shared>> -> memref<6272xf32, #tpu.memory_space<vmem_shared>>
      %dma_wait3A_28 = tpu.memref_slice %arg4[%mul3A_2] : memref<100352xf32, #tpu.memory_space<hbm>> -> memref<6272xf32, #tpu.memory_space<hbm>>
      tpu.wait_dma2 semaphore(%run_scoped3A : memref<!tpu.dma_semaphore, #tpu.memory_space<semaphore_mem>>) src(%dma_wait3A_28 : memref<6272xf32, #tpu.memory_space<hbm>>) dst(%dma_wait3A_27 : memref<6272xf32, #tpu.memory_space<vmem_shared>>)
      tpu.yield
    }) : () -> ()
    "tpu.region"() ({
      %run_scoped3A = tpu.sem_alloc : memref<!tpu.dma_semaphore, #tpu.memory_space<semaphore_mem>>
      %dma_start3A = tpu.memref_slice %arg17[%mul3A_2] : memref<100352xf32, #tpu.memory_space<vmem_shared>> -> memref<6272xf32, #tpu.memory_space<vmem_shared>>
      %dma_start3A_26 = tpu.memref_slice %arg5[%mul3A_2] : memref<100352xf32, #tpu.memory_space<hbm>> -> memref<6272xf32, #tpu.memory_space<hbm>>
      tpu.enqueue_dma source(%dma_start3A_26 : memref<6272xf32, #tpu.memory_space<hbm>>) target(%dma_start3A : memref<6272xf32, #tpu.memory_space<vmem_shared>>) target_semaphore(%run_scoped3A : memref<!tpu.dma_semaphore, #tpu.memory_space<semaphore_mem>>)
      %dma_wait3A_27 = tpu.memref_slice %arg17[%mul3A_2] : memref<100352xf32, #tpu.memory_space<vmem_shared>> -> memref<6272xf32, #tpu.memory_space<vmem_shared>>
      %dma_wait3A_28 = tpu.memref_slice %arg5[%mul3A_2] : memref<100352xf32, #tpu.memory_space<hbm>> -> memref<6272xf32, #tpu.memory_space<hbm>>
      tpu.wait_dma2 semaphore(%run_scoped3A : memref<!tpu.dma_semaphore, #tpu.memory_space<semaphore_mem>>) src(%dma_wait3A_28 : memref<6272xf32, #tpu.memory_space<hbm>>) dst(%dma_wait3A_27 : memref<6272xf32, #tpu.memory_space<vmem_shared>>)
      tpu.yield
    }) : () -> ()
    "tpu.region"() ({
      %run_scoped3A = tpu.sem_alloc : memref<!tpu.dma_semaphore, #tpu.memory_space<semaphore_mem>>
      %dma_start3A = tpu.memref_slice %arg18[%mul3A_2] : memref<100352xf32, #tpu.memory_space<vmem_shared>> -> memref<6272xf32, #tpu.memory_space<vmem_shared>>
      %dma_start3A_26 = tpu.memref_slice %arg6[%mul3A_2] : memref<100352xf32, #tpu.memory_space<hbm>> -> memref<6272xf32, #tpu.memory_space<hbm>>
      tpu.enqueue_dma source(%dma_start3A_26 : memref<6272xf32, #tpu.memory_space<hbm>>) target(%dma_start3A : memref<6272xf32, #tpu.memory_space<vmem_shared>>) target_semaphore(%run_scoped3A : memref<!tpu.dma_semaphore, #tpu.memory_space<semaphore_mem>>)
      %dma_wait3A_27 = tpu.memref_slice %arg18[%mul3A_2] : memref<100352xf32, #tpu.memory_space<vmem_shared>> -> memref<6272xf32, #tpu.memory_space<vmem_shared>>
      %dma_wait3A_28 = tpu.memref_slice %arg6[%mul3A_2] : memref<100352xf32, #tpu.memory_space<hbm>> -> memref<6272xf32, #tpu.memory_space<hbm>>
      tpu.wait_dma2 semaphore(%run_scoped3A : memref<!tpu.dma_semaphore, #tpu.memory_space<semaphore_mem>>) src(%dma_wait3A_28 : memref<6272xf32, #tpu.memory_space<hbm>>) dst(%dma_wait3A_27 : memref<6272xf32, #tpu.memory_space<vmem_shared>>)
      tpu.yield
    }) : () -> ()
    "tpu.region"() ({
      %run_scoped3A = tpu.sem_alloc : memref<!tpu.dma_semaphore, #tpu.memory_space<semaphore_mem>>
      %dma_start3A = tpu.memref_slice %arg19[%mul3A_2] : memref<100352xf32, #tpu.memory_space<vmem_shared>> -> memref<6272xf32, #tpu.memory_space<vmem_shared>>
      %dma_start3A_26 = tpu.memref_slice %arg6[%mul3A_2] : memref<100352xf32, #tpu.memory_space<hbm>> -> memref<6272xf32, #tpu.memory_space<hbm>>
      tpu.enqueue_dma source(%dma_start3A_26 : memref<6272xf32, #tpu.memory_space<hbm>>) target(%dma_start3A : memref<6272xf32, #tpu.memory_space<vmem_shared>>) target_semaphore(%run_scoped3A : memref<!tpu.dma_semaphore, #tpu.memory_space<semaphore_mem>>)
      %dma_wait3A_27 = tpu.memref_slice %arg19[%mul3A_2] : memref<100352xf32, #tpu.memory_space<vmem_shared>> -> memref<6272xf32, #tpu.memory_space<vmem_shared>>
      %dma_wait3A_28 = tpu.memref_slice %arg6[%mul3A_2] : memref<100352xf32, #tpu.memory_space<hbm>> -> memref<6272xf32, #tpu.memory_space<hbm>>
      tpu.wait_dma2 semaphore(%run_scoped3A : memref<!tpu.dma_semaphore, #tpu.memory_space<semaphore_mem>>) src(%dma_wait3A_28 : memref<6272xf32, #tpu.memory_space<hbm>>) dst(%dma_wait3A_27 : memref<6272xf32, #tpu.memory_space<vmem_shared>>)
      tpu.yield
    }) : () -> ()
    %barrier3A = arith.constant 0 : index
    tpu.barrier barrier_id(%barrier3A)
    %mul3A_3 = arith.constant 100000 : i32
    %mul3A_4 = arith.muli %add3A, %mul3A_3 : i32
    %scan3A = arith.constant 0 : i32
    %scan3A_5 = arith.constant 0 : i32
    %scan3A_6 = arith.constant 5 : i32
    %scan3A_7 = arith.addi %scan3A_5, %scan3A_6 : i32
    %scan3A_8 = arith.constant 1 : i32
    scf.for %scan3A_26 = %scan3A_5 to %scan3A_7 step %scan3A_8  : i32 {
      %gt3A = arith.constant 0 : i32
      %gt3A_27 = arith.cmpi sgt, %scan3A_26, %gt3A : i32
      %convert_element_type3A = arith.extui %gt3A_27 : i1 to i32
      %cond3A = arith.constant 0 : i32
      %cond3A_28 = arith.cmpi ne, %convert_element_type3A, %cond3A : i32
      scf.if %cond3A_28 {
        %dma_wait3A_55 = arith.constant 0 : i32
        %dma_wait3A_56 = tpu.memref_slice %arg18[%dma_wait3A_55] : memref<100352xf32, #tpu.memory_space<vmem_shared>> -> memref<100352xf32, #tpu.memory_space<vmem_shared>>
        tpu.wait_indirect_dma semaphore(%arg20 : memref<!tpu.dma_semaphore, #tpu.memory_space<semaphore_mem>>) src(%arg12 : memref<10000xf32, #tpu.memory_space<vmem>>) dst(%dma_wait3A_56 : memref<100352xf32, #tpu.memory_space<vmem_shared>>)
        %dma_wait3A_57 = arith.constant 0 : i32
        %dma_wait3A_58 = tpu.memref_slice %arg19[%dma_wait3A_57] : memref<100352xf32, #tpu.memory_space<vmem_shared>> -> memref<100352xf32, #tpu.memory_space<vmem_shared>>
        tpu.wait_indirect_dma semaphore(%arg22 : memref<!tpu.dma_semaphore, #tpu.memory_space<semaphore_mem>>) src(%arg14 : memref<10000xf32, #tpu.memory_space<vmem>>) dst(%dma_wait3A_58 : memref<100352xf32, #tpu.memory_space<vmem_shared>>)
      } else {
      }
      %mul3A_29 = arith.constant 2 : i32
      %mul3A_30 = arith.muli %mul3A_29, %scan3A_26 : i32
      %add3A_31 = arith.constant 0 : i32
      %add3A_32 = arith.addi %mul3A_30, %add3A_31 : i32
      %mul3A_33 = arith.constant 10000 : i32
      %mul3A_34 = arith.muli %add3A_32, %mul3A_33 : i32
      %add3A_35 = arith.addi %mul3A_4, %mul3A_34 : i32
      "tpu.region"() ({
        %run_scoped3A = tpu.sem_alloc : memref<!tpu.dma_semaphore, #tpu.memory_space<semaphore_mem>>
        %dma_start3A_55 = tpu.memref_slice %arg2[%add3A_35] : memref<3200000xi32, #tpu.memory_space<hbm>> -> memref<10000xi32, #tpu.memory_space<hbm>>
        %dma_start3A_56 = tpu.memref_slice %arg2[%add3A_35] : memref<3200000xi32, #tpu.memory_space<hbm>> -> memref<10000xi32, #tpu.memory_space<hbm>>
        tpu.enqueue_dma source(%dma_start3A_56 : memref<10000xi32, #tpu.memory_space<hbm>>) target(%arg8 : memref<10000xi32, #tpu.memory_space<vmem>>) target_semaphore(%run_scoped3A : memref<!tpu.dma_semaphore, #tpu.memory_space<semaphore_mem>>)
        %dma_wait3A_57 = tpu.memref_slice %arg2[%add3A_35] : memref<3200000xi32, #tpu.memory_space<hbm>> -> memref<10000xi32, #tpu.memory_space<hbm>>
        %dma_wait3A_58 = tpu.memref_slice %arg2[%add3A_35] : memref<3200000xi32, #tpu.memory_space<hbm>> -> memref<10000xi32, #tpu.memory_space<hbm>>
        tpu.wait_dma2 semaphore(%run_scoped3A : memref<!tpu.dma_semaphore, #tpu.memory_space<semaphore_mem>>) src(%dma_wait3A_58 : memref<10000xi32, #tpu.memory_space<hbm>>) dst(%arg8 : memref<10000xi32, #tpu.memory_space<vmem>>)
        tpu.yield
      }) : () -> ()
      "tpu.region"() ({
        %run_scoped3A = tpu.sem_alloc : memref<!tpu.dma_semaphore, #tpu.memory_space<semaphore_mem>>
        %dma_start3A_55 = tpu.memref_slice %arg3[%add3A_35] : memref<3200000xi32, #tpu.memory_space<hbm>> -> memref<10000xi32, #tpu.memory_space<hbm>>
        %dma_start3A_56 = tpu.memref_slice %arg3[%add3A_35] : memref<3200000xi32, #tpu.memory_space<hbm>> -> memref<10000xi32, #tpu.memory_space<hbm>>
        tpu.enqueue_dma source(%dma_start3A_56 : memref<10000xi32, #tpu.memory_space<hbm>>) target(%arg10 : memref<10000xi32, #tpu.memory_space<vmem>>) target_semaphore(%run_scoped3A : memref<!tpu.dma_semaphore, #tpu.memory_space<semaphore_mem>>)
        %dma_wait3A_57 = tpu.memref_slice %arg3[%add3A_35] : memref<3200000xi32, #tpu.memory_space<hbm>> -> memref<10000xi32, #tpu.memory_space<hbm>>
        %dma_wait3A_58 = tpu.memref_slice %arg3[%add3A_35] : memref<3200000xi32, #tpu.memory_space<hbm>> -> memref<10000xi32, #tpu.memory_space<hbm>>
        tpu.wait_dma2 semaphore(%run_scoped3A : memref<!tpu.dma_semaphore, #tpu.memory_space<semaphore_mem>>) src(%dma_wait3A_58 : memref<10000xi32, #tpu.memory_space<hbm>>) dst(%arg10 : memref<10000xi32, #tpu.memory_space<vmem>>)
        tpu.yield
      }) : () -> ()
      "tpu.region"() ({
        %run_scoped3A = tpu.sem_alloc : memref<!tpu.dma_semaphore, #tpu.memory_space<semaphore_mem>>
        %dma_start3A_55 = arith.constant 0 : i32
        %dma_start3A_56 = tpu.memref_slice %arg16[%dma_start3A_55] : memref<100352xf32, #tpu.memory_space<vmem_shared>> -> memref<100352xf32, #tpu.memory_space<vmem_shared>>
        tpu.enqueue_indirect_dma source(%dma_start3A_56 : memref<100352xf32, #tpu.memory_space<vmem_shared>>) target(%arg12 : memref<10000xf32, #tpu.memory_space<vmem>>) offsets(%arg8 : memref<10000xi32, #tpu.memory_space<vmem>>) semaphore(%run_scoped3A : memref<!tpu.dma_semaphore, #tpu.memory_space<semaphore_mem>>)
        %dma_wait3A_57 = arith.constant 0 : i32
        %dma_wait3A_58 = tpu.memref_slice %arg16[%dma_wait3A_57] : memref<100352xf32, #tpu.memory_space<vmem_shared>> -> memref<100352xf32, #tpu.memory_space<vmem_shared>>
        tpu.wait_indirect_dma semaphore(%run_scoped3A : memref<!tpu.dma_semaphore, #tpu.memory_space<semaphore_mem>>) src(%dma_wait3A_58 : memref<100352xf32, #tpu.memory_space<vmem_shared>>) dst(%arg12 : memref<10000xf32, #tpu.memory_space<vmem>>)
        tpu.yield
      }) : () -> ()
      "tpu.region"() ({
        %run_scoped3A = tpu.sem_alloc : memref<!tpu.dma_semaphore, #tpu.memory_space<semaphore_mem>>
        %dma_start3A_55 = arith.constant 0 : i32
        %dma_start3A_56 = tpu.memref_slice %arg17[%dma_start3A_55] : memref<100352xf32, #tpu.memory_space<vmem_shared>> -> memref<100352xf32, #tpu.memory_space<vmem_shared>>
        tpu.enqueue_indirect_dma source(%dma_start3A_56 : memref<100352xf32, #tpu.memory_space<vmem_shared>>) target(%arg14 : memref<10000xf32, #tpu.memory_space<vmem>>) offsets(%arg8 : memref<10000xi32, #tpu.memory_space<vmem>>) semaphore(%run_scoped3A : memref<!tpu.dma_semaphore, #tpu.memory_space<semaphore_mem>>)
        %dma_wait3A_57 = arith.constant 0 : i32
        %dma_wait3A_58 = tpu.memref_slice %arg17[%dma_wait3A_57] : memref<100352xf32, #tpu.memory_space<vmem_shared>> -> memref<100352xf32, #tpu.memory_space<vmem_shared>>
        tpu.wait_indirect_dma semaphore(%run_scoped3A : memref<!tpu.dma_semaphore, #tpu.memory_space<semaphore_mem>>) src(%dma_wait3A_58 : memref<100352xf32, #tpu.memory_space<vmem_shared>>) dst(%arg14 : memref<10000xf32, #tpu.memory_space<vmem>>)
        tpu.yield
      }) : () -> ()
      %dma_start3A = arith.constant 0 : i32
      %dma_start3A_36 = tpu.memref_slice %arg18[%dma_start3A] : memref<100352xf32, #tpu.memory_space<vmem_shared>> -> memref<100352xf32, #tpu.memory_space<vmem_shared>>
      tpu.enqueue_indirect_dma source(%arg12 : memref<10000xf32, #tpu.memory_space<vmem>>) target(%dma_start3A_36 : memref<100352xf32, #tpu.memory_space<vmem_shared>>) offsets(%arg10 : memref<10000xi32, #tpu.memory_space<vmem>>) semaphore(%arg20 : memref<!tpu.dma_semaphore, #tpu.memory_space<semaphore_mem>>) {add = true}
      %dma_start3A_37 = arith.constant 0 : i32
      %dma_start3A_38 = tpu.memref_slice %arg19[%dma_start3A_37] : memref<100352xf32, #tpu.memory_space<vmem_shared>> -> memref<100352xf32, #tpu.memory_space<vmem_shared>>
      tpu.enqueue_indirect_dma source(%arg14 : memref<10000xf32, #tpu.memory_space<vmem>>) target(%dma_start3A_38 : memref<100352xf32, #tpu.memory_space<vmem_shared>>) offsets(%arg10 : memref<10000xi32, #tpu.memory_space<vmem>>) semaphore(%arg22 : memref<!tpu.dma_semaphore, #tpu.memory_space<semaphore_mem>>) {add = true}
      %gt3A_39 = arith.constant 0 : i32
      %gt3A_40 = arith.cmpi sgt, %scan3A_26, %gt3A_39 : i32
      %convert_element_type3A_41 = arith.extui %gt3A_40 : i1 to i32
      %cond3A_42 = arith.constant 0 : i32
      %cond3A_43 = arith.cmpi ne, %convert_element_type3A_41, %cond3A_42 : i32
      scf.if %cond3A_43 {
        %dma_wait3A_55 = arith.constant 0 : i32
        %dma_wait3A_56 = tpu.memref_slice %arg18[%dma_wait3A_55] : memref<100352xf32, #tpu.memory_space<vmem_shared>> -> memref<100352xf32, #tpu.memory_space<vmem_shared>>
        tpu.wait_indirect_dma semaphore(%arg21 : memref<!tpu.dma_semaphore, #tpu.memory_space<semaphore_mem>>) src(%arg13 : memref<10000xf32, #tpu.memory_space<vmem>>) dst(%dma_wait3A_56 : memref<100352xf32, #tpu.memory_space<vmem_shared>>)
        %dma_wait3A_57 = arith.constant 0 : i32
        %dma_wait3A_58 = tpu.memref_slice %arg19[%dma_wait3A_57] : memref<100352xf32, #tpu.memory_space<vmem_shared>> -> memref<100352xf32, #tpu.memory_space<vmem_shared>>
        tpu.wait_indirect_dma semaphore(%arg23 : memref<!tpu.dma_semaphore, #tpu.memory_space<semaphore_mem>>) src(%arg15 : memref<10000xf32, #tpu.memory_space<vmem>>) dst(%dma_wait3A_58 : memref<100352xf32, #tpu.memory_space<vmem_shared>>)
      } else {
      }
      %mul3A_44 = arith.constant 2 : i32
      %mul3A_45 = arith.muli %mul3A_44, %scan3A_26 : i32
      %add3A_46 = arith.constant 1 : i32
      %add3A_47 = arith.addi %mul3A_45, %add3A_46 : i32
      %mul3A_48 = arith.constant 10000 : i32
      %mul3A_49 = arith.muli %add3A_47, %mul3A_48 : i32
      %add3A_50 = arith.addi %mul3A_4, %mul3A_49 : i32
      "tpu.region"() ({
        %run_scoped3A = tpu.sem_alloc : memref<!tpu.dma_semaphore, #tpu.memory_space<semaphore_mem>>
        %dma_start3A_55 = tpu.memref_slice %arg2[%add3A_50] : memref<3200000xi32, #tpu.memory_space<hbm>> -> memref<10000xi32, #tpu.memory_space<hbm>>
        %dma_start3A_56 = tpu.memref_slice %arg2[%add3A_50] : memref<3200000xi32, #tpu.memory_space<hbm>> -> memref<10000xi32, #tpu.memory_space<hbm>>
        tpu.enqueue_dma source(%dma_start3A_56 : memref<10000xi32, #tpu.memory_space<hbm>>) target(%arg9 : memref<10000xi32, #tpu.memory_space<vmem>>) target_semaphore(%run_scoped3A : memref<!tpu.dma_semaphore, #tpu.memory_space<semaphore_mem>>)
        %dma_wait3A_57 = tpu.memref_slice %arg2[%add3A_50] : memref<3200000xi32, #tpu.memory_space<hbm>> -> memref<10000xi32, #tpu.memory_space<hbm>>
        %dma_wait3A_58 = tpu.memref_slice %arg2[%add3A_50] : memref<3200000xi32, #tpu.memory_space<hbm>> -> memref<10000xi32, #tpu.memory_space<hbm>>
        tpu.wait_dma2 semaphore(%run_scoped3A : memref<!tpu.dma_semaphore, #tpu.memory_space<semaphore_mem>>) src(%dma_wait3A_58 : memref<10000xi32, #tpu.memory_space<hbm>>) dst(%arg9 : memref<10000xi32, #tpu.memory_space<vmem>>)
        tpu.yield
      }) : () -> ()
      "tpu.region"() ({
        %run_scoped3A = tpu.sem_alloc : memref<!tpu.dma_semaphore, #tpu.memory_space<semaphore_mem>>
        %dma_start3A_55 = tpu.memref_slice %arg3[%add3A_50] : memref<3200000xi32, #tpu.memory_space<hbm>> -> memref<10000xi32, #tpu.memory_space<hbm>>
        %dma_start3A_56 = tpu.memref_slice %arg3[%add3A_50] : memref<3200000xi32, #tpu.memory_space<hbm>> -> memref<10000xi32, #tpu.memory_space<hbm>>
        tpu.enqueue_dma source(%dma_start3A_56 : memref<10000xi32, #tpu.memory_space<hbm>>) target(%arg11 : memref<10000xi32, #tpu.memory_space<vmem>>) target_semaphore(%run_scoped3A : memref<!tpu.dma_semaphore, #tpu.memory_space<semaphore_mem>>)
        %dma_wait3A_57 = tpu.memref_slice %arg3[%add3A_50] : memref<3200000xi32, #tpu.memory_space<hbm>> -> memref<10000xi32, #tpu.memory_space<hbm>>
        %dma_wait3A_58 = tpu.memref_slice %arg3[%add3A_50] : memref<3200000xi32, #tpu.memory_space<hbm>> -> memref<10000xi32, #tpu.memory_space<hbm>>
        tpu.wait_dma2 semaphore(%run_scoped3A : memref<!tpu.dma_semaphore, #tpu.memory_space<semaphore_mem>>) src(%dma_wait3A_58 : memref<10000xi32, #tpu.memory_space<hbm>>) dst(%arg11 : memref<10000xi32, #tpu.memory_space<vmem>>)
        tpu.yield
      }) : () -> ()
      "tpu.region"() ({
        %run_scoped3A = tpu.sem_alloc : memref<!tpu.dma_semaphore, #tpu.memory_space<semaphore_mem>>
        %dma_start3A_55 = arith.constant 0 : i32
        %dma_start3A_56 = tpu.memref_slice %arg16[%dma_start3A_55] : memref<100352xf32, #tpu.memory_space<vmem_shared>> -> memref<100352xf32, #tpu.memory_space<vmem_shared>>
        tpu.enqueue_indirect_dma source(%dma_start3A_56 : memref<100352xf32, #tpu.memory_space<vmem_shared>>) target(%arg13 : memref<10000xf32, #tpu.memory_space<vmem>>) offsets(%arg9 : memref<10000xi32, #tpu.memory_space<vmem>>) semaphore(%run_scoped3A : memref<!tpu.dma_semaphore, #tpu.memory_space<semaphore_mem>>)
        %dma_wait3A_57 = arith.constant 0 : i32
        %dma_wait3A_58 = tpu.memref_slice %arg16[%dma_wait3A_57] : memref<100352xf32, #tpu.memory_space<vmem_shared>> -> memref<100352xf32, #tpu.memory_space<vmem_shared>>
        tpu.wait_indirect_dma semaphore(%run_scoped3A : memref<!tpu.dma_semaphore, #tpu.memory_space<semaphore_mem>>) src(%dma_wait3A_58 : memref<100352xf32, #tpu.memory_space<vmem_shared>>) dst(%arg13 : memref<10000xf32, #tpu.memory_space<vmem>>)
        tpu.yield
      }) : () -> ()
      "tpu.region"() ({
        %run_scoped3A = tpu.sem_alloc : memref<!tpu.dma_semaphore, #tpu.memory_space<semaphore_mem>>
        %dma_start3A_55 = arith.constant 0 : i32
        %dma_start3A_56 = tpu.memref_slice %arg17[%dma_start3A_55] : memref<100352xf32, #tpu.memory_space<vmem_shared>> -> memref<100352xf32, #tpu.memory_space<vmem_shared>>
        tpu.enqueue_indirect_dma source(%dma_start3A_56 : memref<100352xf32, #tpu.memory_space<vmem_shared>>) target(%arg15 : memref<10000xf32, #tpu.memory_space<vmem>>) offsets(%arg9 : memref<10000xi32, #tpu.memory_space<vmem>>) semaphore(%run_scoped3A : memref<!tpu.dma_semaphore, #tpu.memory_space<semaphore_mem>>)
        %dma_wait3A_57 = arith.constant 0 : i32
        %dma_wait3A_58 = tpu.memref_slice %arg17[%dma_wait3A_57] : memref<100352xf32, #tpu.memory_space<vmem_shared>> -> memref<100352xf32, #tpu.memory_space<vmem_shared>>
        tpu.wait_indirect_dma semaphore(%run_scoped3A : memref<!tpu.dma_semaphore, #tpu.memory_space<semaphore_mem>>) src(%dma_wait3A_58 : memref<100352xf32, #tpu.memory_space<vmem_shared>>) dst(%arg15 : memref<10000xf32, #tpu.memory_space<vmem>>)
        tpu.yield
      }) : () -> ()
      %dma_start3A_51 = arith.constant 0 : i32
      %dma_start3A_52 = tpu.memref_slice %arg18[%dma_start3A_51] : memref<100352xf32, #tpu.memory_space<vmem_shared>> -> memref<100352xf32, #tpu.memory_space<vmem_shared>>
      tpu.enqueue_indirect_dma source(%arg13 : memref<10000xf32, #tpu.memory_space<vmem>>) target(%dma_start3A_52 : memref<100352xf32, #tpu.memory_space<vmem_shared>>) offsets(%arg11 : memref<10000xi32, #tpu.memory_space<vmem>>) semaphore(%arg21 : memref<!tpu.dma_semaphore, #tpu.memory_space<semaphore_mem>>) {add = true}
      %dma_start3A_53 = arith.constant 0 : i32
      %dma_start3A_54 = tpu.memref_slice %arg19[%dma_start3A_53] : memref<100352xf32, #tpu.memory_space<vmem_shared>> -> memref<100352xf32, #tpu.memory_space<vmem_shared>>
      tpu.enqueue_indirect_dma source(%arg15 : memref<10000xf32, #tpu.memory_space<vmem>>) target(%dma_start3A_54 : memref<100352xf32, #tpu.memory_space<vmem_shared>>) offsets(%arg11 : memref<10000xi32, #tpu.memory_space<vmem>>) semaphore(%arg23 : memref<!tpu.dma_semaphore, #tpu.memory_space<semaphore_mem>>) {add = true}
    }
    %scan3A_9 = arith.constant 5 : i32
    %dma_wait3A = arith.constant 0 : i32
    %dma_wait3A_10 = tpu.memref_slice %arg18[%dma_wait3A] : memref<100352xf32, #tpu.memory_space<vmem_shared>> -> memref<100352xf32, #tpu.memory_space<vmem_shared>>
    tpu.wait_indirect_dma semaphore(%arg20 : memref<!tpu.dma_semaphore, #tpu.memory_space<semaphore_mem>>) src(%arg12 : memref<10000xf32, #tpu.memory_space<vmem>>) dst(%dma_wait3A_10 : memref<100352xf32, #tpu.memory_space<vmem_shared>>)
    %dma_wait3A_11 = arith.constant 0 : i32
    %dma_wait3A_12 = tpu.memref_slice %arg19[%dma_wait3A_11] : memref<100352xf32, #tpu.memory_space<vmem_shared>> -> memref<100352xf32, #tpu.memory_space<vmem_shared>>
    tpu.wait_indirect_dma semaphore(%arg22 : memref<!tpu.dma_semaphore, #tpu.memory_space<semaphore_mem>>) src(%arg14 : memref<10000xf32, #tpu.memory_space<vmem>>) dst(%dma_wait3A_12 : memref<100352xf32, #tpu.memory_space<vmem_shared>>)
    %dma_wait3A_13 = arith.constant 0 : i32
    %dma_wait3A_14 = tpu.memref_slice %arg18[%dma_wait3A_13] : memref<100352xf32, #tpu.memory_space<vmem_shared>> -> memref<100352xf32, #tpu.memory_space<vmem_shared>>
    tpu.wait_indirect_dma semaphore(%arg21 : memref<!tpu.dma_semaphore, #tpu.memory_space<semaphore_mem>>) src(%arg13 : memref<10000xf32, #tpu.memory_space<vmem>>) dst(%dma_wait3A_14 : memref<100352xf32, #tpu.memory_space<vmem_shared>>)
    %dma_wait3A_15 = arith.constant 0 : i32
    %dma_wait3A_16 = tpu.memref_slice %arg19[%dma_wait3A_15] : memref<100352xf32, #tpu.memory_space<vmem_shared>> -> memref<100352xf32, #tpu.memory_space<vmem_shared>>
    tpu.wait_indirect_dma semaphore(%arg23 : memref<!tpu.dma_semaphore, #tpu.memory_space<semaphore_mem>>) src(%arg15 : memref<10000xf32, #tpu.memory_space<vmem>>) dst(%dma_wait3A_16 : memref<100352xf32, #tpu.memory_space<vmem_shared>>)
    %barrier3A_17 = arith.constant 0 : index
    tpu.barrier barrier_id(%barrier3A_17)
    %mul3A_18 = arith.constant 100352 : i32
    %mul3A_19 = arith.muli %arg0, %mul3A_18 : i32
    %add3A_20 = arith.addi %mul3A_19, %mul3A_2 : i32
    "tpu.region"() ({
      %run_scoped3A = tpu.sem_alloc : memref<!tpu.dma_semaphore, #tpu.memory_space<semaphore_mem>>
      %dma_start3A = tpu.memref_slice %arg7[%add3A_20] : memref<401408xf32, #tpu.memory_space<hbm>> -> memref<6272xf32, #tpu.memory_space<hbm>>
      %dma_start3A_26 = tpu.memref_slice %arg18[%mul3A_2] : memref<100352xf32, #tpu.memory_space<vmem_shared>> -> memref<6272xf32, #tpu.memory_space<vmem_shared>>
      tpu.enqueue_dma source(%dma_start3A_26 : memref<6272xf32, #tpu.memory_space<vmem_shared>>) target(%dma_start3A : memref<6272xf32, #tpu.memory_space<hbm>>) target_semaphore(%run_scoped3A : memref<!tpu.dma_semaphore, #tpu.memory_space<semaphore_mem>>)
      %dma_wait3A_27 = tpu.memref_slice %arg7[%add3A_20] : memref<401408xf32, #tpu.memory_space<hbm>> -> memref<6272xf32, #tpu.memory_space<hbm>>
      %dma_wait3A_28 = tpu.memref_slice %arg18[%mul3A_2] : memref<100352xf32, #tpu.memory_space<vmem_shared>> -> memref<6272xf32, #tpu.memory_space<vmem_shared>>
      tpu.wait_dma2 semaphore(%run_scoped3A : memref<!tpu.dma_semaphore, #tpu.memory_space<semaphore_mem>>) src(%dma_wait3A_28 : memref<6272xf32, #tpu.memory_space<vmem_shared>>) dst(%dma_wait3A_27 : memref<6272xf32, #tpu.memory_space<hbm>>)
      tpu.yield
    }) : () -> ()
    %add3A_21 = arith.constant 2 : i32
    %add3A_22 = arith.addi %add3A_21, %arg0 : i32
    %mul3A_23 = arith.constant 100352 : i32
    %mul3A_24 = arith.muli %add3A_22, %mul3A_23 : i32
    %add3A_25 = arith.addi %mul3A_24, %mul3A_2 : i32
    "tpu.region"() ({
      %run_scoped3A = tpu.sem_alloc : memref<!tpu.dma_semaphore, #tpu.memory_space<semaphore_mem>>
      %dma_start3A = tpu.memref_slice %arg7[%add3A_25] : memref<401408xf32, #tpu.memory_space<hbm>> -> memref<6272xf32, #tpu.memory_space<hbm>>
      %dma_start3A_26 = tpu.memref_slice %arg19[%mul3A_2] : memref<100352xf32, #tpu.memory_space<vmem_shared>> -> memref<6272xf32, #tpu.memory_space<vmem_shared>>
      tpu.enqueue_dma source(%dma_start3A_26 : memref<6272xf32, #tpu.memory_space<vmem_shared>>) target(%dma_start3A : memref<6272xf32, #tpu.memory_space<hbm>>) target_semaphore(%run_scoped3A : memref<!tpu.dma_semaphore, #tpu.memory_space<semaphore_mem>>)
      %dma_wait3A_27 = tpu.memref_slice %arg7[%add3A_25] : memref<401408xf32, #tpu.memory_space<hbm>> -> memref<6272xf32, #tpu.memory_space<hbm>>
      %dma_wait3A_28 = tpu.memref_slice %arg19[%mul3A_2] : memref<100352xf32, #tpu.memory_space<vmem_shared>> -> memref<6272xf32, #tpu.memory_space<vmem_shared>>
      tpu.wait_dma2 semaphore(%run_scoped3A : memref<!tpu.dma_semaphore, #tpu.memory_space<semaphore_mem>>) src(%dma_wait3A_28 : memref<6272xf32, #tpu.memory_space<vmem_shared>>) dst(%dma_wait3A_27 : memref<6272xf32, #tpu.memory_space<hbm>>)
      tpu.yield
    }) : () -> ()
    return
  }
}

#map = affine_map<(d0, d1) -> (0)>
module attributes {stable_mosaic.version = 14 : i64} {
  func.func @_deg_kernel(%arg0: i32, %arg1: i32, %arg2: memref<3200000xi32, #tpu.memory_space<hbm>>, %arg3: memref<10000xf32, #tpu.memory_space<hbm>>, %arg4: memref<100352xf32, #tpu.memory_space<hbm>>, %arg5: memref<200704xf32, #tpu.memory_space<hbm>>, %arg6: memref<10000xi32, #tpu.memory_space<vmem>>, %arg7: memref<10000xi32, #tpu.memory_space<vmem>>, %arg8: memref<10000xf32, #tpu.memory_space<vmem>>, %arg9: memref<100352xf32, #tpu.memory_space<vmem_shared>>, %arg10: memref<!tpu.dma_semaphore, #tpu.memory_space<semaphore_mem>>, %arg11: memref<!tpu.dma_semaphore, #tpu.memory_space<semaphore_mem>>) attributes {dimension_semantics = [#tpu.dimension_semantics<core_parallel>, #tpu.dimension_semantics<subcore_parallel>], iteration_bounds = array<i64: 2, 16>, scalar_prefetch = 0 : i64, scratch_operands = 6 : i64, tpu.core_type = #tpu.core_type<sc_vector_subcore>, window_params = [{transform_indices = #map}, {transform_indices = #map}, {transform_indices = #map}, {transform_indices = #map}]} {
    %mul3A = arith.constant 2 : i32
    %mul3A_0 = arith.muli %arg1, %mul3A : i32
    %add3A = arith.addi %mul3A_0, %arg0 : i32
    %mul3A_1 = arith.constant 6272 : i32
    %mul3A_2 = arith.muli %arg1, %mul3A_1 : i32
    "tpu.region"() ({
      %run_scoped3A = tpu.sem_alloc : memref<!tpu.dma_semaphore, #tpu.memory_space<semaphore_mem>>
      tpu.enqueue_dma source(%arg3 : memref<10000xf32, #tpu.memory_space<hbm>>) target(%arg8 : memref<10000xf32, #tpu.memory_space<vmem>>) target_semaphore(%run_scoped3A : memref<!tpu.dma_semaphore, #tpu.memory_space<semaphore_mem>>)
      tpu.wait_dma2 semaphore(%run_scoped3A : memref<!tpu.dma_semaphore, #tpu.memory_space<semaphore_mem>>) src(%arg3 : memref<10000xf32, #tpu.memory_space<hbm>>) dst(%arg8 : memref<10000xf32, #tpu.memory_space<vmem>>)
      tpu.yield
    }) : () -> ()
    "tpu.region"() ({
      %run_scoped3A = tpu.sem_alloc : memref<!tpu.dma_semaphore, #tpu.memory_space<semaphore_mem>>
      %dma_start3A = tpu.memref_slice %arg9[%mul3A_2] : memref<100352xf32, #tpu.memory_space<vmem_shared>> -> memref<6272xf32, #tpu.memory_space<vmem_shared>>
      %dma_start3A_17 = tpu.memref_slice %arg4[%mul3A_2] : memref<100352xf32, #tpu.memory_space<hbm>> -> memref<6272xf32, #tpu.memory_space<hbm>>
      tpu.enqueue_dma source(%dma_start3A_17 : memref<6272xf32, #tpu.memory_space<hbm>>) target(%dma_start3A : memref<6272xf32, #tpu.memory_space<vmem_shared>>) target_semaphore(%run_scoped3A : memref<!tpu.dma_semaphore, #tpu.memory_space<semaphore_mem>>)
      %dma_wait3A_18 = tpu.memref_slice %arg9[%mul3A_2] : memref<100352xf32, #tpu.memory_space<vmem_shared>> -> memref<6272xf32, #tpu.memory_space<vmem_shared>>
      %dma_wait3A_19 = tpu.memref_slice %arg4[%mul3A_2] : memref<100352xf32, #tpu.memory_space<hbm>> -> memref<6272xf32, #tpu.memory_space<hbm>>
      tpu.wait_dma2 semaphore(%run_scoped3A : memref<!tpu.dma_semaphore, #tpu.memory_space<semaphore_mem>>) src(%dma_wait3A_19 : memref<6272xf32, #tpu.memory_space<hbm>>) dst(%dma_wait3A_18 : memref<6272xf32, #tpu.memory_space<vmem_shared>>)
      tpu.yield
    }) : () -> ()
    %barrier3A = arith.constant 0 : index
    tpu.barrier barrier_id(%barrier3A)
    %mul3A_3 = arith.constant 100000 : i32
    %mul3A_4 = arith.muli %add3A, %mul3A_3 : i32
    %scan3A = arith.constant 0 : i32
    %scan3A_5 = arith.constant 0 : i32
    %scan3A_6 = arith.constant 5 : i32
    %scan3A_7 = arith.addi %scan3A_5, %scan3A_6 : i32
    %scan3A_8 = arith.constant 1 : i32
    scf.for %scan3A_17 = %scan3A_5 to %scan3A_7 step %scan3A_8  : i32 {
      %gt3A = arith.constant 0 : i32
      %gt3A_18 = arith.cmpi sgt, %scan3A_17, %gt3A : i32
      %convert_element_type3A = arith.extui %gt3A_18 : i1 to i32
      %cond3A = arith.constant 0 : i32
      %cond3A_19 = arith.cmpi ne, %convert_element_type3A, %cond3A : i32
      scf.if %cond3A_19 {
        %dma_wait3A_42 = arith.constant 0 : i32
        %dma_wait3A_43 = tpu.memref_slice %arg9[%dma_wait3A_42] : memref<100352xf32, #tpu.memory_space<vmem_shared>> -> memref<100352xf32, #tpu.memory_space<vmem_shared>>
        tpu.wait_indirect_dma semaphore(%arg10 : memref<!tpu.dma_semaphore, #tpu.memory_space<semaphore_mem>>) src(%arg8 : memref<10000xf32, #tpu.memory_space<vmem>>) dst(%dma_wait3A_43 : memref<100352xf32, #tpu.memory_space<vmem_shared>>)
      } else {
      }
      %mul3A_20 = arith.constant 2 : i32
      %mul3A_21 = arith.muli %mul3A_20, %scan3A_17 : i32
      %add3A_22 = arith.constant 0 : i32
      %add3A_23 = arith.addi %mul3A_21, %add3A_22 : i32
      %mul3A_24 = arith.constant 10000 : i32
      %mul3A_25 = arith.muli %add3A_23, %mul3A_24 : i32
      %add3A_26 = arith.addi %mul3A_4, %mul3A_25 : i32
      "tpu.region"() ({
        %run_scoped3A = tpu.sem_alloc : memref<!tpu.dma_semaphore, #tpu.memory_space<semaphore_mem>>
        %dma_start3A_42 = tpu.memref_slice %arg2[%add3A_26] : memref<3200000xi32, #tpu.memory_space<hbm>> -> memref<10000xi32, #tpu.memory_space<hbm>>
        %dma_start3A_43 = tpu.memref_slice %arg2[%add3A_26] : memref<3200000xi32, #tpu.memory_space<hbm>> -> memref<10000xi32, #tpu.memory_space<hbm>>
        tpu.enqueue_dma source(%dma_start3A_43 : memref<10000xi32, #tpu.memory_space<hbm>>) target(%arg6 : memref<10000xi32, #tpu.memory_space<vmem>>) target_semaphore(%run_scoped3A : memref<!tpu.dma_semaphore, #tpu.memory_space<semaphore_mem>>)
        %dma_wait3A_44 = tpu.memref_slice %arg2[%add3A_26] : memref<3200000xi32, #tpu.memory_space<hbm>> -> memref<10000xi32, #tpu.memory_space<hbm>>
        %dma_wait3A_45 = tpu.memref_slice %arg2[%add3A_26] : memref<3200000xi32, #tpu.memory_space<hbm>> -> memref<10000xi32, #tpu.memory_space<hbm>>
        tpu.wait_dma2 semaphore(%run_scoped3A : memref<!tpu.dma_semaphore, #tpu.memory_space<semaphore_mem>>) src(%dma_wait3A_45 : memref<10000xi32, #tpu.memory_space<hbm>>) dst(%arg6 : memref<10000xi32, #tpu.memory_space<vmem>>)
        tpu.yield
      }) : () -> ()
      %dma_start3A = arith.constant 0 : i32
      %dma_start3A_27 = tpu.memref_slice %arg9[%dma_start3A] : memref<100352xf32, #tpu.memory_space<vmem_shared>> -> memref<100352xf32, #tpu.memory_space<vmem_shared>>
      tpu.enqueue_indirect_dma source(%arg8 : memref<10000xf32, #tpu.memory_space<vmem>>) target(%dma_start3A_27 : memref<100352xf32, #tpu.memory_space<vmem_shared>>) offsets(%arg6 : memref<10000xi32, #tpu.memory_space<vmem>>) semaphore(%arg10 : memref<!tpu.dma_semaphore, #tpu.memory_space<semaphore_mem>>) {add = true}
      %gt3A_28 = arith.constant 0 : i32
      %gt3A_29 = arith.cmpi sgt, %scan3A_17, %gt3A_28 : i32
      %convert_element_type3A_30 = arith.extui %gt3A_29 : i1 to i32
      %cond3A_31 = arith.constant 0 : i32
      %cond3A_32 = arith.cmpi ne, %convert_element_type3A_30, %cond3A_31 : i32
      scf.if %cond3A_32 {
        %dma_wait3A_42 = arith.constant 0 : i32
        %dma_wait3A_43 = tpu.memref_slice %arg9[%dma_wait3A_42] : memref<100352xf32, #tpu.memory_space<vmem_shared>> -> memref<100352xf32, #tpu.memory_space<vmem_shared>>
        tpu.wait_indirect_dma semaphore(%arg11 : memref<!tpu.dma_semaphore, #tpu.memory_space<semaphore_mem>>) src(%arg8 : memref<10000xf32, #tpu.memory_space<vmem>>) dst(%dma_wait3A_43 : memref<100352xf32, #tpu.memory_space<vmem_shared>>)
      } else {
      }
      %mul3A_33 = arith.constant 2 : i32
      %mul3A_34 = arith.muli %mul3A_33, %scan3A_17 : i32
      %add3A_35 = arith.constant 1 : i32
      %add3A_36 = arith.addi %mul3A_34, %add3A_35 : i32
      %mul3A_37 = arith.constant 10000 : i32
      %mul3A_38 = arith.muli %add3A_36, %mul3A_37 : i32
      %add3A_39 = arith.addi %mul3A_4, %mul3A_38 : i32
      "tpu.region"() ({
        %run_scoped3A = tpu.sem_alloc : memref<!tpu.dma_semaphore, #tpu.memory_space<semaphore_mem>>
        %dma_start3A_42 = tpu.memref_slice %arg2[%add3A_39] : memref<3200000xi32, #tpu.memory_space<hbm>> -> memref<10000xi32, #tpu.memory_space<hbm>>
        %dma_start3A_43 = tpu.memref_slice %arg2[%add3A_39] : memref<3200000xi32, #tpu.memory_space<hbm>> -> memref<10000xi32, #tpu.memory_space<hbm>>
        tpu.enqueue_dma source(%dma_start3A_43 : memref<10000xi32, #tpu.memory_space<hbm>>) target(%arg7 : memref<10000xi32, #tpu.memory_space<vmem>>) target_semaphore(%run_scoped3A : memref<!tpu.dma_semaphore, #tpu.memory_space<semaphore_mem>>)
        %dma_wait3A_44 = tpu.memref_slice %arg2[%add3A_39] : memref<3200000xi32, #tpu.memory_space<hbm>> -> memref<10000xi32, #tpu.memory_space<hbm>>
        %dma_wait3A_45 = tpu.memref_slice %arg2[%add3A_39] : memref<3200000xi32, #tpu.memory_space<hbm>> -> memref<10000xi32, #tpu.memory_space<hbm>>
        tpu.wait_dma2 semaphore(%run_scoped3A : memref<!tpu.dma_semaphore, #tpu.memory_space<semaphore_mem>>) src(%dma_wait3A_45 : memref<10000xi32, #tpu.memory_space<hbm>>) dst(%arg7 : memref<10000xi32, #tpu.memory_space<vmem>>)
        tpu.yield
      }) : () -> ()
      %dma_start3A_40 = arith.constant 0 : i32
      %dma_start3A_41 = tpu.memref_slice %arg9[%dma_start3A_40] : memref<100352xf32, #tpu.memory_space<vmem_shared>> -> memref<100352xf32, #tpu.memory_space<vmem_shared>>
      tpu.enqueue_indirect_dma source(%arg8 : memref<10000xf32, #tpu.memory_space<vmem>>) target(%dma_start3A_41 : memref<100352xf32, #tpu.memory_space<vmem_shared>>) offsets(%arg7 : memref<10000xi32, #tpu.memory_space<vmem>>) semaphore(%arg11 : memref<!tpu.dma_semaphore, #tpu.memory_space<semaphore_mem>>) {add = true}
    }
    %scan3A_9 = arith.constant 5 : i32
    %dma_wait3A = arith.constant 0 : i32
    %dma_wait3A_10 = tpu.memref_slice %arg9[%dma_wait3A] : memref<100352xf32, #tpu.memory_space<vmem_shared>> -> memref<100352xf32, #tpu.memory_space<vmem_shared>>
    tpu.wait_indirect_dma semaphore(%arg10 : memref<!tpu.dma_semaphore, #tpu.memory_space<semaphore_mem>>) src(%arg8 : memref<10000xf32, #tpu.memory_space<vmem>>) dst(%dma_wait3A_10 : memref<100352xf32, #tpu.memory_space<vmem_shared>>)
    %dma_wait3A_11 = arith.constant 0 : i32
    %dma_wait3A_12 = tpu.memref_slice %arg9[%dma_wait3A_11] : memref<100352xf32, #tpu.memory_space<vmem_shared>> -> memref<100352xf32, #tpu.memory_space<vmem_shared>>
    tpu.wait_indirect_dma semaphore(%arg11 : memref<!tpu.dma_semaphore, #tpu.memory_space<semaphore_mem>>) src(%arg8 : memref<10000xf32, #tpu.memory_space<vmem>>) dst(%dma_wait3A_12 : memref<100352xf32, #tpu.memory_space<vmem_shared>>)
    %barrier3A_13 = arith.constant 0 : index
    tpu.barrier barrier_id(%barrier3A_13)
    %mul3A_14 = arith.constant 100352 : i32
    %mul3A_15 = arith.muli %arg0, %mul3A_14 : i32
    %add3A_16 = arith.addi %mul3A_15, %mul3A_2 : i32
    "tpu.region"() ({
      %run_scoped3A = tpu.sem_alloc : memref<!tpu.dma_semaphore, #tpu.memory_space<semaphore_mem>>
      %dma_start3A = tpu.memref_slice %arg5[%add3A_16] : memref<200704xf32, #tpu.memory_space<hbm>> -> memref<6272xf32, #tpu.memory_space<hbm>>
      %dma_start3A_17 = tpu.memref_slice %arg9[%mul3A_2] : memref<100352xf32, #tpu.memory_space<vmem_shared>> -> memref<6272xf32, #tpu.memory_space<vmem_shared>>
      tpu.enqueue_dma source(%dma_start3A_17 : memref<6272xf32, #tpu.memory_space<vmem_shared>>) target(%dma_start3A : memref<6272xf32, #tpu.memory_space<hbm>>) target_semaphore(%run_scoped3A : memref<!tpu.dma_semaphore, #tpu.memory_space<semaphore_mem>>)
      %dma_wait3A_18 = tpu.memref_slice %arg5[%add3A_16] : memref<200704xf32, #tpu.memory_space<hbm>> -> memref<6272xf32, #tpu.memory_space<hbm>>
      %dma_wait3A_19 = tpu.memref_slice %arg9[%mul3A_2] : memref<100352xf32, #tpu.memory_space<vmem_shared>> -> memref<6272xf32, #tpu.memory_space<vmem_shared>>
      tpu.wait_dma2 semaphore(%run_scoped3A : memref<!tpu.dma_semaphore, #tpu.memory_space<semaphore_mem>>) src(%dma_wait3A_19 : memref<6272xf32, #tpu.memory_space<vmem_shared>>) dst(%dma_wait3A_18 : memref<6272xf32, #tpu.memory_space<hbm>>)
      tpu.yield
    }) : () -> ()
    return
  }
}

#map = affine_map<(d0, d1) -> (0)>
module attributes {stable_mosaic.version = 14 : i64} {
  func.func @_prop1_kernel(%arg0: i32, %arg1: i32, %arg2: memref<3200000xi32, #tpu.memory_space<hbm>>, %arg3: memref<3200000xi32, #tpu.memory_space<hbm>>, %arg4: memref<100352xf32, #tpu.memory_space<hbm>>, %arg5: memref<100352xf32, #tpu.memory_space<hbm>>, %arg6: memref<200704xf32, #tpu.memory_space<hbm>>, %arg7: memref<10000xi32, #tpu.memory_space<vmem>>, %arg8: memref<10000xi32, #tpu.memory_space<vmem>>, %arg9: memref<10000xi32, #tpu.memory_space<vmem>>, %arg10: memref<10000xi32, #tpu.memory_space<vmem>>, %arg11: memref<10000xf32, #tpu.memory_space<vmem>>, %arg12: memref<10000xf32, #tpu.memory_space<vmem>>, %arg13: memref<100352xf32, #tpu.memory_space<vmem_shared>>, %arg14: memref<100352xf32, #tpu.memory_space<vmem_shared>>, %arg15: memref<!tpu.dma_semaphore, #tpu.memory_space<semaphore_mem>>, %arg16: memref<!tpu.dma_semaphore, #tpu.memory_space<semaphore_mem>>) attributes {dimension_semantics = [#tpu.dimension_semantics<core_parallel>, #tpu.dimension_semantics<subcore_parallel>], iteration_bounds = array<i64: 2, 16>, scalar_prefetch = 0 : i64, scratch_operands = 10 : i64, tpu.core_type = #tpu.core_type<sc_vector_subcore>, window_params = [{transform_indices = #map}, {transform_indices = #map}, {transform_indices = #map}, {transform_indices = #map}, {transform_indices = #map}]} {
    %mul3A = arith.constant 2 : i32
    %mul3A_0 = arith.muli %arg1, %mul3A : i32
    %add3A = arith.addi %mul3A_0, %arg0 : i32
    %mul3A_1 = arith.constant 6272 : i32
    %mul3A_2 = arith.muli %arg1, %mul3A_1 : i32
    "tpu.region"() ({
      %run_scoped3A = tpu.sem_alloc : memref<!tpu.dma_semaphore, #tpu.memory_space<semaphore_mem>>
      %dma_start3A = tpu.memref_slice %arg13[%mul3A_2] : memref<100352xf32, #tpu.memory_space<vmem_shared>> -> memref<6272xf32, #tpu.memory_space<vmem_shared>>
      %dma_start3A_17 = tpu.memref_slice %arg4[%mul3A_2] : memref<100352xf32, #tpu.memory_space<hbm>> -> memref<6272xf32, #tpu.memory_space<hbm>>
      tpu.enqueue_dma source(%dma_start3A_17 : memref<6272xf32, #tpu.memory_space<hbm>>) target(%dma_start3A : memref<6272xf32, #tpu.memory_space<vmem_shared>>) target_semaphore(%run_scoped3A : memref<!tpu.dma_semaphore, #tpu.memory_space<semaphore_mem>>)
      %dma_wait3A_18 = tpu.memref_slice %arg13[%mul3A_2] : memref<100352xf32, #tpu.memory_space<vmem_shared>> -> memref<6272xf32, #tpu.memory_space<vmem_shared>>
      %dma_wait3A_19 = tpu.memref_slice %arg4[%mul3A_2] : memref<100352xf32, #tpu.memory_space<hbm>> -> memref<6272xf32, #tpu.memory_space<hbm>>
      tpu.wait_dma2 semaphore(%run_scoped3A : memref<!tpu.dma_semaphore, #tpu.memory_space<semaphore_mem>>) src(%dma_wait3A_19 : memref<6272xf32, #tpu.memory_space<hbm>>) dst(%dma_wait3A_18 : memref<6272xf32, #tpu.memory_space<vmem_shared>>)
      tpu.yield
    }) : () -> ()
    "tpu.region"() ({
      %run_scoped3A = tpu.sem_alloc : memref<!tpu.dma_semaphore, #tpu.memory_space<semaphore_mem>>
      %dma_start3A = tpu.memref_slice %arg14[%mul3A_2] : memref<100352xf32, #tpu.memory_space<vmem_shared>> -> memref<6272xf32, #tpu.memory_space<vmem_shared>>
      %dma_start3A_17 = tpu.memref_slice %arg5[%mul3A_2] : memref<100352xf32, #tpu.memory_space<hbm>> -> memref<6272xf32, #tpu.memory_space<hbm>>
      tpu.enqueue_dma source(%dma_start3A_17 : memref<6272xf32, #tpu.memory_space<hbm>>) target(%dma_start3A : memref<6272xf32, #tpu.memory_space<vmem_shared>>) target_semaphore(%run_scoped3A : memref<!tpu.dma_semaphore, #tpu.memory_space<semaphore_mem>>)
      %dma_wait3A_18 = tpu.memref_slice %arg14[%mul3A_2] : memref<100352xf32, #tpu.memory_space<vmem_shared>> -> memref<6272xf32, #tpu.memory_space<vmem_shared>>
      %dma_wait3A_19 = tpu.memref_slice %arg5[%mul3A_2] : memref<100352xf32, #tpu.memory_space<hbm>> -> memref<6272xf32, #tpu.memory_space<hbm>>
      tpu.wait_dma2 semaphore(%run_scoped3A : memref<!tpu.dma_semaphore, #tpu.memory_space<semaphore_mem>>) src(%dma_wait3A_19 : memref<6272xf32, #tpu.memory_space<hbm>>) dst(%dma_wait3A_18 : memref<6272xf32, #tpu.memory_space<vmem_shared>>)
      tpu.yield
    }) : () -> ()
    %barrier3A = arith.constant 0 : index
    tpu.barrier barrier_id(%barrier3A)
    %mul3A_3 = arith.constant 100000 : i32
    %mul3A_4 = arith.muli %add3A, %mul3A_3 : i32
    %scan3A = arith.constant 0 : i32
    %scan3A_5 = arith.constant 0 : i32
    %scan3A_6 = arith.constant 5 : i32
    %scan3A_7 = arith.addi %scan3A_5, %scan3A_6 : i32
    %scan3A_8 = arith.constant 1 : i32
    scf.for %scan3A_17 = %scan3A_5 to %scan3A_7 step %scan3A_8  : i32 {
      %gt3A = arith.constant 0 : i32
      %gt3A_18 = arith.cmpi sgt, %scan3A_17, %gt3A : i32
      %convert_element_type3A = arith.extui %gt3A_18 : i1 to i32
      %cond3A = arith.constant 0 : i32
      %cond3A_19 = arith.cmpi ne, %convert_element_type3A, %cond3A : i32
      scf.if %cond3A_19 {
        %dma_wait3A_42 = arith.constant 0 : i32
        %dma_wait3A_43 = tpu.memref_slice %arg14[%dma_wait3A_42] : memref<100352xf32, #tpu.memory_space<vmem_shared>> -> memref<100352xf32, #tpu.memory_space<vmem_shared>>
        tpu.wait_indirect_dma semaphore(%arg15 : memref<!tpu.dma_semaphore, #tpu.memory_space<semaphore_mem>>) src(%arg11 : memref<10000xf32, #tpu.memory_space<vmem>>) dst(%dma_wait3A_43 : memref<100352xf32, #tpu.memory_space<vmem_shared>>)
      } else {
      }
      %mul3A_20 = arith.constant 2 : i32
      %mul3A_21 = arith.muli %mul3A_20, %scan3A_17 : i32
      %add3A_22 = arith.constant 0 : i32
      %add3A_23 = arith.addi %mul3A_21, %add3A_22 : i32
      %mul3A_24 = arith.constant 10000 : i32
      %mul3A_25 = arith.muli %add3A_23, %mul3A_24 : i32
      %add3A_26 = arith.addi %mul3A_4, %mul3A_25 : i32
      "tpu.region"() ({
        %run_scoped3A = tpu.sem_alloc : memref<!tpu.dma_semaphore, #tpu.memory_space<semaphore_mem>>
        %dma_start3A_42 = tpu.memref_slice %arg2[%add3A_26] : memref<3200000xi32, #tpu.memory_space<hbm>> -> memref<10000xi32, #tpu.memory_space<hbm>>
        %dma_start3A_43 = tpu.memref_slice %arg2[%add3A_26] : memref<3200000xi32, #tpu.memory_space<hbm>> -> memref<10000xi32, #tpu.memory_space<hbm>>
        tpu.enqueue_dma source(%dma_start3A_43 : memref<10000xi32, #tpu.memory_space<hbm>>) target(%arg7 : memref<10000xi32, #tpu.memory_space<vmem>>) target_semaphore(%run_scoped3A : memref<!tpu.dma_semaphore, #tpu.memory_space<semaphore_mem>>)
        %dma_wait3A_44 = tpu.memref_slice %arg2[%add3A_26] : memref<3200000xi32, #tpu.memory_space<hbm>> -> memref<10000xi32, #tpu.memory_space<hbm>>
        %dma_wait3A_45 = tpu.memref_slice %arg2[%add3A_26] : memref<3200000xi32, #tpu.memory_space<hbm>> -> memref<10000xi32, #tpu.memory_space<hbm>>
        tpu.wait_dma2 semaphore(%run_scoped3A : memref<!tpu.dma_semaphore, #tpu.memory_space<semaphore_mem>>) src(%dma_wait3A_45 : memref<10000xi32, #tpu.memory_space<hbm>>) dst(%arg7 : memref<10000xi32, #tpu.memory_space<vmem>>)
        tpu.yield
      }) : () -> ()
      "tpu.region"() ({
        %run_scoped3A = tpu.sem_alloc : memref<!tpu.dma_semaphore, #tpu.memory_space<semaphore_mem>>
        %dma_start3A_42 = tpu.memref_slice %arg3[%add3A_26] : memref<3200000xi32, #tpu.memory_space<hbm>> -> memref<10000xi32, #tpu.memory_space<hbm>>
        %dma_start3A_43 = tpu.memref_slice %arg3[%add3A_26] : memref<3200000xi32, #tpu.memory_space<hbm>> -> memref<10000xi32, #tpu.memory_space<hbm>>
        tpu.enqueue_dma source(%dma_start3A_43 : memref<10000xi32, #tpu.memory_space<hbm>>) target(%arg9 : memref<10000xi32, #tpu.memory_space<vmem>>) target_semaphore(%run_scoped3A : memref<!tpu.dma_semaphore, #tpu.memory_space<semaphore_mem>>)
        %dma_wait3A_44 = tpu.memref_slice %arg3[%add3A_26] : memref<3200000xi32, #tpu.memory_space<hbm>> -> memref<10000xi32, #tpu.memory_space<hbm>>
        %dma_wait3A_45 = tpu.memref_slice %arg3[%add3A_26] : memref<3200000xi32, #tpu.memory_space<hbm>> -> memref<10000xi32, #tpu.memory_space<hbm>>
        tpu.wait_dma2 semaphore(%run_scoped3A : memref<!tpu.dma_semaphore, #tpu.memory_space<semaphore_mem>>) src(%dma_wait3A_45 : memref<10000xi32, #tpu.memory_space<hbm>>) dst(%arg9 : memref<10000xi32, #tpu.memory_space<vmem>>)
        tpu.yield
      }) : () -> ()
      "tpu.region"() ({
        %run_scoped3A = tpu.sem_alloc : memref<!tpu.dma_semaphore, #tpu.memory_space<semaphore_mem>>
        %dma_start3A_42 = arith.constant 0 : i32
        %dma_start3A_43 = tpu.memref_slice %arg13[%dma_start3A_42] : memref<100352xf32, #tpu.memory_space<vmem_shared>> -> memref<100352xf32, #tpu.memory_space<vmem_shared>>
        tpu.enqueue_indirect_dma source(%dma_start3A_43 : memref<100352xf32, #tpu.memory_space<vmem_shared>>) target(%arg11 : memref<10000xf32, #tpu.memory_space<vmem>>) offsets(%arg7 : memref<10000xi32, #tpu.memory_space<vmem>>) semaphore(%run_scoped3A : memref<!tpu.dma_semaphore, #tpu.memory_space<semaphore_mem>>)
        %dma_wait3A_44 = arith.constant 0 : i32
        %dma_wait3A_45 = tpu.memref_slice %arg13[%dma_wait3A_44] : memref<100352xf32, #tpu.memory_space<vmem_shared>> -> memref<100352xf32, #tpu.memory_space<vmem_shared>>
        tpu.wait_indirect_dma semaphore(%run_scoped3A : memref<!tpu.dma_semaphore, #tpu.memory_space<semaphore_mem>>) src(%dma_wait3A_45 : memref<100352xf32, #tpu.memory_space<vmem_shared>>) dst(%arg11 : memref<10000xf32, #tpu.memory_space<vmem>>)
        tpu.yield
      }) : () -> ()
      %dma_start3A = arith.constant 0 : i32
      %dma_start3A_27 = tpu.memref_slice %arg14[%dma_start3A] : memref<100352xf32, #tpu.memory_space<vmem_shared>> -> memref<100352xf32, #tpu.memory_space<vmem_shared>>
      tpu.enqueue_indirect_dma source(%arg11 : memref<10000xf32, #tpu.memory_space<vmem>>) target(%dma_start3A_27 : memref<100352xf32, #tpu.memory_space<vmem_shared>>) offsets(%arg9 : memref<10000xi32, #tpu.memory_space<vmem>>) semaphore(%arg15 : memref<!tpu.dma_semaphore, #tpu.memory_space<semaphore_mem>>) {add = true}
      %gt3A_28 = arith.constant 0 : i32
      %gt3A_29 = arith.cmpi sgt, %scan3A_17, %gt3A_28 : i32
      %convert_element_type3A_30 = arith.extui %gt3A_29 : i1 to i32
      %cond3A_31 = arith.constant 0 : i32
      %cond3A_32 = arith.cmpi ne, %convert_element_type3A_30, %cond3A_31 : i32
      scf.if %cond3A_32 {
        %dma_wait3A_42 = arith.constant 0 : i32
        %dma_wait3A_43 = tpu.memref_slice %arg14[%dma_wait3A_42] : memref<100352xf32, #tpu.memory_space<vmem_shared>> -> memref<100352xf32, #tpu.memory_space<vmem_shared>>
        tpu.wait_indirect_dma semaphore(%arg16 : memref<!tpu.dma_semaphore, #tpu.memory_space<semaphore_mem>>) src(%arg12 : memref<10000xf32, #tpu.memory_space<vmem>>) dst(%dma_wait3A_43 : memref<100352xf32, #tpu.memory_space<vmem_shared>>)
      } else {
      }
      %mul3A_33 = arith.constant 2 : i32
      %mul3A_34 = arith.muli %mul3A_33, %scan3A_17 : i32
      %add3A_35 = arith.constant 1 : i32
      %add3A_36 = arith.addi %mul3A_34, %add3A_35 : i32
      %mul3A_37 = arith.constant 10000 : i32
      %mul3A_38 = arith.muli %add3A_36, %mul3A_37 : i32
      %add3A_39 = arith.addi %mul3A_4, %mul3A_38 : i32
      "tpu.region"() ({
        %run_scoped3A = tpu.sem_alloc : memref<!tpu.dma_semaphore, #tpu.memory_space<semaphore_mem>>
        %dma_start3A_42 = tpu.memref_slice %arg2[%add3A_39] : memref<3200000xi32, #tpu.memory_space<hbm>> -> memref<10000xi32, #tpu.memory_space<hbm>>
        %dma_start3A_43 = tpu.memref_slice %arg2[%add3A_39] : memref<3200000xi32, #tpu.memory_space<hbm>> -> memref<10000xi32, #tpu.memory_space<hbm>>
        tpu.enqueue_dma source(%dma_start3A_43 : memref<10000xi32, #tpu.memory_space<hbm>>) target(%arg8 : memref<10000xi32, #tpu.memory_space<vmem>>) target_semaphore(%run_scoped3A : memref<!tpu.dma_semaphore, #tpu.memory_space<semaphore_mem>>)
        %dma_wait3A_44 = tpu.memref_slice %arg2[%add3A_39] : memref<3200000xi32, #tpu.memory_space<hbm>> -> memref<10000xi32, #tpu.memory_space<hbm>>
        %dma_wait3A_45 = tpu.memref_slice %arg2[%add3A_39] : memref<3200000xi32, #tpu.memory_space<hbm>> -> memref<10000xi32, #tpu.memory_space<hbm>>
        tpu.wait_dma2 semaphore(%run_scoped3A : memref<!tpu.dma_semaphore, #tpu.memory_space<semaphore_mem>>) src(%dma_wait3A_45 : memref<10000xi32, #tpu.memory_space<hbm>>) dst(%arg8 : memref<10000xi32, #tpu.memory_space<vmem>>)
        tpu.yield
      }) : () -> ()
      "tpu.region"() ({
        %run_scoped3A = tpu.sem_alloc : memref<!tpu.dma_semaphore, #tpu.memory_space<semaphore_mem>>
        %dma_start3A_42 = tpu.memref_slice %arg3[%add3A_39] : memref<3200000xi32, #tpu.memory_space<hbm>> -> memref<10000xi32, #tpu.memory_space<hbm>>
        %dma_start3A_43 = tpu.memref_slice %arg3[%add3A_39] : memref<3200000xi32, #tpu.memory_space<hbm>> -> memref<10000xi32, #tpu.memory_space<hbm>>
        tpu.enqueue_dma source(%dma_start3A_43 : memref<10000xi32, #tpu.memory_space<hbm>>) target(%arg10 : memref<10000xi32, #tpu.memory_space<vmem>>) target_semaphore(%run_scoped3A : memref<!tpu.dma_semaphore, #tpu.memory_space<semaphore_mem>>)
        %dma_wait3A_44 = tpu.memref_slice %arg3[%add3A_39] : memref<3200000xi32, #tpu.memory_space<hbm>> -> memref<10000xi32, #tpu.memory_space<hbm>>
        %dma_wait3A_45 = tpu.memref_slice %arg3[%add3A_39] : memref<3200000xi32, #tpu.memory_space<hbm>> -> memref<10000xi32, #tpu.memory_space<hbm>>
        tpu.wait_dma2 semaphore(%run_scoped3A : memref<!tpu.dma_semaphore, #tpu.memory_space<semaphore_mem>>) src(%dma_wait3A_45 : memref<10000xi32, #tpu.memory_space<hbm>>) dst(%arg10 : memref<10000xi32, #tpu.memory_space<vmem>>)
        tpu.yield
      }) : () -> ()
      "tpu.region"() ({
        %run_scoped3A = tpu.sem_alloc : memref<!tpu.dma_semaphore, #tpu.memory_space<semaphore_mem>>
        %dma_start3A_42 = arith.constant 0 : i32
        %dma_start3A_43 = tpu.memref_slice %arg13[%dma_start3A_42] : memref<100352xf32, #tpu.memory_space<vmem_shared>> -> memref<100352xf32, #tpu.memory_space<vmem_shared>>
        tpu.enqueue_indirect_dma source(%dma_start3A_43 : memref<100352xf32, #tpu.memory_space<vmem_shared>>) target(%arg12 : memref<10000xf32, #tpu.memory_space<vmem>>) offsets(%arg8 : memref<10000xi32, #tpu.memory_space<vmem>>) semaphore(%run_scoped3A : memref<!tpu.dma_semaphore, #tpu.memory_space<semaphore_mem>>)
        %dma_wait3A_44 = arith.constant 0 : i32
        %dma_wait3A_45 = tpu.memref_slice %arg13[%dma_wait3A_44] : memref<100352xf32, #tpu.memory_space<vmem_shared>> -> memref<100352xf32, #tpu.memory_space<vmem_shared>>
        tpu.wait_indirect_dma semaphore(%run_scoped3A : memref<!tpu.dma_semaphore, #tpu.memory_space<semaphore_mem>>) src(%dma_wait3A_45 : memref<100352xf32, #tpu.memory_space<vmem_shared>>) dst(%arg12 : memref<10000xf32, #tpu.memory_space<vmem>>)
        tpu.yield
      }) : () -> ()
      %dma_start3A_40 = arith.constant 0 : i32
      %dma_start3A_41 = tpu.memref_slice %arg14[%dma_start3A_40] : memref<100352xf32, #tpu.memory_space<vmem_shared>> -> memref<100352xf32, #tpu.memory_space<vmem_shared>>
      tpu.enqueue_indirect_dma source(%arg12 : memref<10000xf32, #tpu.memory_space<vmem>>) target(%dma_start3A_41 : memref<100352xf32, #tpu.memory_space<vmem_shared>>) offsets(%arg10 : memref<10000xi32, #tpu.memory_space<vmem>>) semaphore(%arg16 : memref<!tpu.dma_semaphore, #tpu.memory_space<semaphore_mem>>) {add = true}
    }
    %scan3A_9 = arith.constant 5 : i32
    %dma_wait3A = arith.constant 0 : i32
    %dma_wait3A_10 = tpu.memref_slice %arg14[%dma_wait3A] : memref<100352xf32, #tpu.memory_space<vmem_shared>> -> memref<100352xf32, #tpu.memory_space<vmem_shared>>
    tpu.wait_indirect_dma semaphore(%arg15 : memref<!tpu.dma_semaphore, #tpu.memory_space<semaphore_mem>>) src(%arg11 : memref<10000xf32, #tpu.memory_space<vmem>>) dst(%dma_wait3A_10 : memref<100352xf32, #tpu.memory_space<vmem_shared>>)
    %dma_wait3A_11 = arith.constant 0 : i32
    %dma_wait3A_12 = tpu.memref_slice %arg14[%dma_wait3A_11] : memref<100352xf32, #tpu.memory_space<vmem_shared>> -> memref<100352xf32, #tpu.memory_space<vmem_shared>>
    tpu.wait_indirect_dma semaphore(%arg16 : memref<!tpu.dma_semaphore, #tpu.memory_space<semaphore_mem>>) src(%arg12 : memref<10000xf32, #tpu.memory_space<vmem>>) dst(%dma_wait3A_12 : memref<100352xf32, #tpu.memory_space<vmem_shared>>)
    %barrier3A_13 = arith.constant 0 : index
    tpu.barrier barrier_id(%barrier3A_13)
    %mul3A_14 = arith.constant 100352 : i32
    %mul3A_15 = arith.muli %arg0, %mul3A_14 : i32
    %add3A_16 = arith.addi %mul3A_15, %mul3A_2 : i32
    "tpu.region"() ({
      %run_scoped3A = tpu.sem_alloc : memref<!tpu.dma_semaphore, #tpu.memory_space<semaphore_mem>>
      %dma_start3A = tpu.memref_slice %arg6[%add3A_16] : memref<200704xf32, #tpu.memory_space<hbm>> -> memref<6272xf32, #tpu.memory_space<hbm>>
      %dma_start3A_17 = tpu.memref_slice %arg14[%mul3A_2] : memref<100352xf32, #tpu.memory_space<vmem_shared>> -> memref<6272xf32, #tpu.memory_space<vmem_shared>>
      tpu.enqueue_dma source(%dma_start3A_17 : memref<6272xf32, #tpu.memory_space<vmem_shared>>) target(%dma_start3A : memref<6272xf32, #tpu.memory_space<hbm>>) target_semaphore(%run_scoped3A : memref<!tpu.dma_semaphore, #tpu.memory_space<semaphore_mem>>)
      %dma_wait3A_18 = tpu.memref_slice %arg6[%add3A_16] : memref<200704xf32, #tpu.memory_space<hbm>> -> memref<6272xf32, #tpu.memory_space<hbm>>
      %dma_wait3A_19 = tpu.memref_slice %arg14[%mul3A_2] : memref<100352xf32, #tpu.memory_space<vmem_shared>> -> memref<6272xf32, #tpu.memory_space<vmem_shared>>
      tpu.wait_dma2 semaphore(%run_scoped3A : memref<!tpu.dma_semaphore, #tpu.memory_space<semaphore_mem>>) src(%dma_wait3A_19 : memref<6272xf32, #tpu.memory_space<vmem_shared>>) dst(%dma_wait3A_18 : memref<6272xf32, #tpu.memory_space<hbm>>)
      tpu.yield
    }) : () -> ()
    return
  }
}

module attributes {stable_mosaic.version = 14 : i64} {
  func.func @_tc_prep_body(%arg0: memref<2x784x128xf32, #tpu.memory_space<vmem>>, %arg1: memref<784x128xf32, #tpu.memory_space<vmem>>, %arg2: memref<784x128xf32, #tpu.memory_space<vmem>>, %arg3: memref<784x128xf32, #tpu.memory_space<vmem>>) attributes {dimension_semantics = [], scalar_prefetch = 0 : i64, scratch_operands = 0 : i64, tpu.core_type = #tpu.core_type<tc>} {
    %get3A = arith.constant 0 : index
    %get3A_0 = arith.constant 0 : index
    %get3A_1 = arith.constant 0 : index
    %get3A_2 = vector.load %arg0[%get3A, %get3A_0, %get3A_1] : memref<2x784x128xf32, #tpu.memory_space<vmem>>, vector<1x784x128xf32>
    %get3A_3 = vector.shape_cast %get3A_2 : vector<1x784x128xf32> to vector<784x128xf32>
    %get3A_4 = arith.constant 1 : index
    %get3A_5 = arith.constant 0 : index
    %get3A_6 = arith.constant 0 : index
    %get3A_7 = vector.load %arg0[%get3A_4, %get3A_5, %get3A_6] : memref<2x784x128xf32, #tpu.memory_space<vmem>>, vector<1x784x128xf32>
    %get3A_8 = vector.shape_cast %get3A_7 : vector<1x784x128xf32> to vector<784x128xf32>
    %add3A = arith.addf %get3A_3, %get3A_8 : vector<784x128xf32>
    %add3A_9 = arith.constant 1.000000e+00 : f32
    %add3A_10 = vector.broadcast %add3A_9 : f32 to vector<784x128xf32>
    %add3A_11 = arith.addf %add3A, %add3A_10 : vector<784x128xf32>
    %rsqrt3A = math.rsqrt %add3A_11 : vector<784x128xf32>
    %swap3A = arith.constant 0 : index
    %swap3A_12 = arith.constant 0 : index
    %swap3A_13 = vector.load %arg2[%swap3A, %swap3A_12] : memref<784x128xf32, #tpu.memory_space<vmem>>, vector<784x128xf32>
    tpu.vector_store %arg2[%swap3A, %swap3A_12], %rsqrt3A {strides = array<i32>} : memref<784x128xf32, #tpu.memory_space<vmem>>, vector<784x128xf32>,
    %get3A_14 = arith.constant 0 : index
    %get3A_15 = arith.constant 0 : index
    %get3A_16 = vector.load %arg1[%get3A_14, %get3A_15] : memref<784x128xf32, #tpu.memory_space<vmem>>, vector<784x128xf32>
    %mul3A = arith.mulf %rsqrt3A, %get3A_16 : vector<784x128xf32>
    %swap3A_17 = arith.constant 0 : index
    %swap3A_18 = arith.constant 0 : index
    %swap3A_19 = vector.load %arg3[%swap3A_17, %swap3A_18] : memref<784x128xf32, #tpu.memory_space<vmem>>, vector<784x128xf32>
    tpu.vector_store %arg3[%swap3A_17, %swap3A_18], %mul3A {strides = array<i32>} : memref<784x128xf32, #tpu.memory_space<vmem>>, vector<784x128xf32>,
    return
  }
}

module attributes {stable_mosaic.version = 14 : i64} {
  func.func @_tc_final_body(%arg0: memref<4x784x128xf32, #tpu.memory_space<vmem>>, %arg1: memref<784x128xf32, #tpu.memory_space<vmem>>, %arg2: memref<784x128xf32, #tpu.memory_space<vmem>>, %arg3: memref<784x128xf32, #tpu.memory_space<vmem>>, %arg4: memref<2x2xf32, #tpu.memory_space<smem>>, %arg5: memref<1x2xf32, #tpu.memory_space<smem>>, %arg6: memref<784x128xf32, #tpu.memory_space<vmem>>, %arg7: memref<784x128xf32, #tpu.memory_space<vmem>>) attributes {dimension_semantics = [], scalar_prefetch = 0 : i64, scratch_operands = 0 : i64, tpu.core_type = #tpu.core_type<tc>} {
    %get3A = arith.constant 0 : index
    %get3A_0 = arith.constant 0 : index
    %get3A_1 = vector.load %arg3[%get3A, %get3A_0] : memref<784x128xf32, #tpu.memory_space<vmem>>, vector<784x128xf32>
    %get3A_2 = arith.constant 0 : index
    %get3A_3 = arith.constant 0 : index
    %get3A_4 = arith.constant 0 : index
    %get3A_5 = vector.load %arg0[%get3A_2, %get3A_3, %get3A_4] : memref<4x784x128xf32, #tpu.memory_space<vmem>>, vector<1x784x128xf32>
    %get3A_6 = vector.shape_cast %get3A_5 : vector<1x784x128xf32> to vector<784x128xf32>
    %get3A_7 = arith.constant 1 : index
    %get3A_8 = arith.constant 0 : index
    %get3A_9 = arith.constant 0 : index
    %get3A_10 = vector.load %arg0[%get3A_7, %get3A_8, %get3A_9] : memref<4x784x128xf32, #tpu.memory_space<vmem>>, vector<1x784x128xf32>
    %get3A_11 = vector.shape_cast %get3A_10 : vector<1x784x128xf32> to vector<784x128xf32>
    %add3A = arith.addf %get3A_6, %get3A_11 : vector<784x128xf32>
    %get3A_12 = arith.constant 0 : index
    %get3A_13 = arith.constant 0 : index
    %get3A_14 = vector.load %arg1[%get3A_12, %get3A_13] : memref<784x128xf32, #tpu.memory_space<vmem>>, vector<784x128xf32>
    %add3A_15 = arith.addf %add3A, %get3A_14 : vector<784x128xf32>
    %mul3A = arith.mulf %get3A_1, %add3A_15 : vector<784x128xf32>
    %get3A_16 = arith.constant 2 : index
    %get3A_17 = arith.constant 0 : index
    %get3A_18 = arith.constant 0 : index
    %get3A_19 = vector.load %arg0[%get3A_16, %get3A_17, %get3A_18] : memref<4x784x128xf32, #tpu.memory_space<vmem>>, vector<1x784x128xf32>
    %get3A_20 = vector.shape_cast %get3A_19 : vector<1x784x128xf32> to vector<784x128xf32>
    %get3A_21 = arith.constant 3 : index
    %get3A_22 = arith.constant 0 : index
    %get3A_23 = arith.constant 0 : index
    %get3A_24 = vector.load %arg0[%get3A_21, %get3A_22, %get3A_23] : memref<4x784x128xf32, #tpu.memory_space<vmem>>, vector<1x784x128xf32>
    %get3A_25 = vector.shape_cast %get3A_24 : vector<1x784x128xf32> to vector<784x128xf32>
    %add3A_26 = arith.addf %get3A_20, %get3A_25 : vector<784x128xf32>
    %get3A_27 = arith.constant 0 : index
    %get3A_28 = arith.constant 0 : index
    %get3A_29 = vector.load %arg2[%get3A_27, %get3A_28] : memref<784x128xf32, #tpu.memory_space<vmem>>, vector<784x128xf32>
    %add3A_30 = arith.addf %add3A_26, %get3A_29 : vector<784x128xf32>
    %mul3A_31 = arith.mulf %get3A_1, %add3A_30 : vector<784x128xf32>
    %get3A_32 = arith.constant 0 : index
    %get3A_33 = arith.constant 0 : index
    %get3A_34 = memref.load %arg4[%get3A_32, %get3A_33] : memref<2x2xf32, #tpu.memory_space<smem>>
    %mul3A_35 = vector.broadcast %get3A_34 : f32 to vector<784x128xf32>
    %mul3A_36 = arith.mulf %mul3A, %mul3A_35 : vector<784x128xf32>
    %get3A_37 = arith.constant 1 : index
    %get3A_38 = arith.constant 0 : index
    %get3A_39 = memref.load %arg4[%get3A_37, %get3A_38] : memref<2x2xf32, #tpu.memory_space<smem>>
    %mul3A_40 = vector.broadcast %get3A_39 : f32 to vector<784x128xf32>
    %mul3A_41 = arith.mulf %mul3A_31, %mul3A_40 : vector<784x128xf32>
    %add3A_42 = arith.addf %mul3A_36, %mul3A_41 : vector<784x128xf32>
    %get3A_43 = arith.constant 0 : index
    %get3A_44 = arith.constant 0 : index
    %get3A_45 = memref.load %arg5[%get3A_43, %get3A_44] : memref<1x2xf32, #tpu.memory_space<smem>>
    %add3A_46 = vector.broadcast %get3A_45 : f32 to vector<784x128xf32>
    %add3A_47 = arith.addf %add3A_42, %add3A_46 : vector<784x128xf32>
    %swap3A = arith.constant 0 : index
    %swap3A_48 = arith.constant 0 : index
    %swap3A_49 = vector.load %arg6[%swap3A, %swap3A_48] : memref<784x128xf32, #tpu.memory_space<vmem>>, vector<784x128xf32>
    tpu.vector_store %arg6[%swap3A, %swap3A_48], %add3A_47 {strides = array<i32>} : memref<784x128xf32, #tpu.memory_space<vmem>>, vector<784x128xf32>,
    %get3A_50 = arith.constant 0 : index
    %get3A_51 = arith.constant 1 : index
    %get3A_52 = memref.load %arg4[%get3A_50, %get3A_51] : memref<2x2xf32, #tpu.memory_space<smem>>
    %mul3A_53 = vector.broadcast %get3A_52 : f32 to vector<784x128xf32>
    %mul3A_54 = arith.mulf %mul3A, %mul3A_53 : vector<784x128xf32>
    %get3A_55 = arith.constant 1 : index
    %get3A_56 = arith.constant 1 : index
    %get3A_57 = memref.load %arg4[%get3A_55, %get3A_56] : memref<2x2xf32, #tpu.memory_space<smem>>
    %mul3A_58 = vector.broadcast %get3A_57 : f32 to vector<784x128xf32>
    %mul3A_59 = arith.mulf %mul3A_31, %mul3A_58 : vector<784x128xf32>
    %add3A_60 = arith.addf %mul3A_54, %mul3A_59 : vector<784x128xf32>
    %get3A_61 = arith.constant 0 : index
    %get3A_62 = arith.constant 1 : index
    %get3A_63 = memref.load %arg5[%get3A_61, %get3A_62] : memref<1x2xf32, #tpu.memory_space<smem>>
    %add3A_64 = vector.broadcast %get3A_63 : f32 to vector<784x128xf32>
    %add3A_65 = arith.addf %add3A_60, %add3A_64 : vector<784x128xf32>
    %swap3A_66 = arith.constant 0 : index
    %swap3A_67 = arith.constant 0 : index
    %swap3A_68 = vector.load %arg7[%swap3A_66, %swap3A_67] : memref<784x128xf32, #tpu.memory_space<vmem>>, vector<784x128xf32>
    tpu.vector_store %arg7[%swap3A_66, %swap3A_67], %add3A_65 {strides = array<i32>} : memref<784x128xf32, #tpu.memory_space<vmem>>, vector<784x128xf32>,
    return
  }
}

module attributes {stable_mosaic.version = 14 : i64} {
  func.func @_tc_layer1_body(%arg0: memref<2x784x128xf32, #tpu.memory_space<vmem>>, %arg1: memref<784x128xf32, #tpu.memory_space<vmem>>, %arg2: memref<784x128xf32, #tpu.memory_space<vmem>>, %arg3: memref<1x2xf32, #tpu.memory_space<smem>>, %arg4: memref<1x2xf32, #tpu.memory_space<smem>>, %arg5: memref<784x128xf32, #tpu.memory_space<vmem>>, %arg6: memref<784x128xf32, #tpu.memory_space<vmem>>) attributes {dimension_semantics = [], scalar_prefetch = 0 : i64, scratch_operands = 0 : i64, tpu.core_type = #tpu.core_type<tc>} {
    %get3A = arith.constant 0 : index
    %get3A_0 = arith.constant 0 : index
    %get3A_1 = vector.load %arg2[%get3A, %get3A_0] : memref<784x128xf32, #tpu.memory_space<vmem>>, vector<784x128xf32>
    %get3A_2 = arith.constant 0 : index
    %get3A_3 = arith.constant 0 : index
    %get3A_4 = arith.constant 0 : index
    %get3A_5 = vector.load %arg0[%get3A_2, %get3A_3, %get3A_4] : memref<2x784x128xf32, #tpu.memory_space<vmem>>, vector<1x784x128xf32>
    %get3A_6 = vector.shape_cast %get3A_5 : vector<1x784x128xf32> to vector<784x128xf32>
    %get3A_7 = arith.constant 1 : index
    %get3A_8 = arith.constant 0 : index
    %get3A_9 = arith.constant 0 : index
    %get3A_10 = vector.load %arg0[%get3A_7, %get3A_8, %get3A_9] : memref<2x784x128xf32, #tpu.memory_space<vmem>>, vector<1x784x128xf32>
    %get3A_11 = vector.shape_cast %get3A_10 : vector<1x784x128xf32> to vector<784x128xf32>
    %add3A = arith.addf %get3A_6, %get3A_11 : vector<784x128xf32>
    %get3A_12 = arith.constant 0 : index
    %get3A_13 = arith.constant 0 : index
    %get3A_14 = vector.load %arg1[%get3A_12, %get3A_13] : memref<784x128xf32, #tpu.memory_space<vmem>>, vector<784x128xf32>
    %add3A_15 = arith.addf %add3A, %get3A_14 : vector<784x128xf32>
    %mul3A = arith.mulf %get3A_1, %add3A_15 : vector<784x128xf32>
    %get3A_16 = arith.constant 0 : index
    %get3A_17 = arith.constant 0 : index
    %get3A_18 = memref.load %arg3[%get3A_16, %get3A_17] : memref<1x2xf32, #tpu.memory_space<smem>>
    %mul3A_19 = vector.broadcast %get3A_18 : f32 to vector<784x128xf32>
    %mul3A_20 = arith.mulf %mul3A, %mul3A_19 : vector<784x128xf32>
    %get3A_21 = arith.constant 0 : index
    %get3A_22 = arith.constant 0 : index
    %get3A_23 = memref.load %arg4[%get3A_21, %get3A_22] : memref<1x2xf32, #tpu.memory_space<smem>>
    %add3A_24 = vector.broadcast %get3A_23 : f32 to vector<784x128xf32>
    %add3A_25 = arith.addf %mul3A_20, %add3A_24 : vector<784x128xf32>
    %max3A = arith.constant 0.000000e+00 : f32
    %max3A_26 = vector.broadcast %max3A : f32 to vector<784x128xf32>
    %max3A_27 = arith.maximumf %add3A_25, %max3A_26 : vector<784x128xf32>
    %get3A_28 = arith.constant 0 : index
    %get3A_29 = arith.constant 1 : index
    %get3A_30 = memref.load %arg3[%get3A_28, %get3A_29] : memref<1x2xf32, #tpu.memory_space<smem>>
    %mul3A_31 = vector.broadcast %get3A_30 : f32 to vector<784x128xf32>
    %mul3A_32 = arith.mulf %mul3A, %mul3A_31 : vector<784x128xf32>
    %get3A_33 = arith.constant 0 : index
    %get3A_34 = arith.constant 1 : index
    %get3A_35 = memref.load %arg4[%get3A_33, %get3A_34] : memref<1x2xf32, #tpu.memory_space<smem>>
    %add3A_36 = vector.broadcast %get3A_35 : f32 to vector<784x128xf32>
    %add3A_37 = arith.addf %mul3A_32, %add3A_36 : vector<784x128xf32>
    %max3A_38 = arith.constant 0.000000e+00 : f32
    %max3A_39 = vector.broadcast %max3A_38 : f32 to vector<784x128xf32>
    %max3A_40 = arith.maximumf %add3A_37, %max3A_39 : vector<784x128xf32>
    %mul3A_41 = arith.mulf %get3A_1, %max3A_27 : vector<784x128xf32>
    %swap3A = arith.constant 0 : index
    %swap3A_42 = arith.constant 0 : index
    %swap3A_43 = vector.load %arg5[%swap3A, %swap3A_42] : memref<784x128xf32, #tpu.memory_space<vmem>>, vector<784x128xf32>
    tpu.vector_store %arg5[%swap3A, %swap3A_42], %mul3A_41 {strides = array<i32>} : memref<784x128xf32, #tpu.memory_space<vmem>>, vector<784x128xf32>,
    %mul3A_44 = arith.mulf %get3A_1, %max3A_40 : vector<784x128xf32>
    %swap3A_45 = arith.constant 0 : index
    %swap3A_46 = arith.constant 0 : index
    %swap3A_47 = vector.load %arg6[%swap3A_45, %swap3A_46] : memref<784x128xf32, #tpu.memory_space<vmem>>, vector<784x128xf32>
    tpu.vector_store %arg6[%swap3A_45, %swap3A_46], %mul3A_44 {strides = array<i32>} : memref<784x128xf32, #tpu.memory_space<vmem>>, vector<784x128xf32>,
    return
  }
}

</mosaic_0001>

<sc_bundles>
// kernel: kernel.11.cloned.1.call-start
scs
__scs_entry_jumppad:
0x0: {  	(pc) =	sbr.rel $0x88, $3  }
0x1: {  	(tag) =	ssettag $0x0;
	lr =	simm.s32 $0x1  }
0x2: {  	[smem:$0x3F9B] =	sst lr;
	_ =	strace $0xD0000000  }
0x3: {  	_ = 	snop  }
0x4: {  	_ = 	snop  }
0x5: {  	_ = 	snop  }
0x6: {  	_ = 	snop  }
0x7: {  	_ = 	snop  }
__scs_overlays_trampoline_lowered:
0x8: {  	[smem:$0x3FAA] =	sst s0  }
0x9: {  	[smem:$0x3FAB] =	sst s1  }
0xa: {  	[smem:$0x3FAC] =	sst s2  }
0xb: {  	[smem:$0x3FAD] =	sst s3  }
0xc: {  	[smem:$0x3FAE] =	sst s4  }
0xd: {  	[smem:$0x3FAF] =	sst s5  }
0xe: {  	[smem:$0x3FB0] =	sst s6  }
0xf: {  	[smem:$0x3FB1] =	sst s7  }
0x10: {  	[smem:$0x3FB2] =	sst s8  }
0x11: {  	[smem:$0x3FB3] =	sst s9;
	s0 =	simm.s32 @!p0 $0x0  }
0x12: {  	s1 =	sld [smem:$0x3F99];
	s0 =	simm.s32 @p0 $0x1  }
0x13: {  	[smem:$0x3FB4] =	sst s0;
	s0 =	simm.s32 @!p1 $0x0  }
0x14: {  	s2 =	sld [smem:$0x3F98];
	s0 =	simm.s32 @p1 $0x1  }
0x15: {  	[smem:$0x3FB5] =	sst s0;
	s0 =	simm.s32 @!p2 $0x0  }
0x16: {  	s3 =	sld [smem:$0x3FDB];
	s0 =	simm.s32 @p2 $0x1  }
0x17: {  	s4 =	simm.s32 $0x1BF5;
	[smem:$0x3FB7] =	sst s0  }
0x18: {  	s0 =	sld [smem:$0x3F9A];
	_ =	swait.ge [sflag:s4], $0x0  }
0x19: {  	s7 =	sld [smem:$0x3F9B]  }
0x1a: {  	s8 =	sadd.s32 $0xFFFFE003, lr  }
0x1b: {  	s9 =	sadd.s32 $0xFFFFFEF7, lr;
	s5 =	simm.s32 $0xFFFFFFFF;
	p2 =	slt.u32 s8, $0xFFFFF086  }
0x1c: {  	p1 =	slt.u32 s9, $0xF7A;
	s5 =	simm.s32 @!p2 $0x0  }
0x1d: {  	s5 =	simm.s32 @p1 $0x1;
	p0 =	seq.s32 s7, s2  }
0x1e: {  	s7 =	smul.u32 @!p0 $0xF7A, s2;
	p2 =	seq.s32 @!p0 s5, $0x0  }
0x1f: {  	s9 =	smul.u32 $0xF7A, s1;
	s8 =	simm.s32 @!p0 $0x1BF5;
	p2 =	por !p2, p0  }
0x20: {  	[sflag:s8] =	ssyncset.s32 @!p0 $0xFFFFF086;
	s6 =	sadd.s32 @!p0 s3, s7;
	s7 =	simm.s32 @!p0 $0x108  }
0x21: {  	s3 =	sadd.s32 s3, s9;
	s6 =	sadd.s32 @!p0 $0x88, s6;
	s7 =	simm.s32 @p2 $0x1082  }
0x22: {  	[simem:s7], [sflag:s8] =	dma.local @!p0 [hbm:s6], $0xF7A  }
0x23: {  	s9 =	sor.u32 $0xD0000000, s2;
	s6 =	simm.s32 $0x108;
	_ =	swait.ge @!p0 [sflag:s8], $0x0  }
0x24: {  	s3 =	sadd.s32 $0x88, s3;
	s6 =	simm.s32 @!p1 $0x1082;
	[sflag:s4] =	ssyncset.s32 $0xFFFFF086  }
0x25: {  	[simem:s6], [sflag:s4] =	dma.local [hbm:s3], $0xF7A  }
0x26: {  	[smem:$0x3F9B] =	sst s1;
	(tag) =	ssettag s2;
	_ =	strace s9  }
0x27: {  	s1 =	sld [smem:$0x3FAB]  }
0x28: {  	s2 =	sld [smem:$0x3FAC]  }
0x29: {  	s4 =	sld [smem:$0x3FAE]  }
0x2a: {  	p0 =	seq.s32 s5, $0x0;
	s5 =	sld [smem:$0x3FAF]  }
0x2b: {  	s6 =	sld [smem:$0x3FB0]  }
0x2c: {  	s7 =	sld [smem:$0x3FB1]  }
0x2d: {  	s3 =	simm.s32 $0x108;
	s8 =	sld [smem:$0x3FB2]  }
0x2e: {  	s3 =	simm.s32 @!p0 $0x1082;
	s9 =	sld [smem:$0x3FB3]  }
0x2f: {  	lr =	sadd.s32 s0, s3;
	s0 =	sld [smem:$0x3FAA]  }
0x30: {  	s3 =	sld [smem:$0x3FAD]  }
0x31: {  	[smem:$0x3FB6] =	sst s10  }
0x32: {  	s10 =	sld [smem:$0x3FB4];
	_ =	sdelay $0x3  }
0x33: {  	p0 =	seq.s32 s10, $0x1;
	s10 =	sld [smem:$0x3FB6];
	_ =	sdelay $0x3  }
0x34: {  	[smem:$0x3FB6] =	sst s10  }
0x35: {  	s10 =	sld [smem:$0x3FB5];
	_ =	sdelay $0x3  }
0x36: {  	p1 =	seq.s32 s10, $0x1;
	s10 =	sld [smem:$0x3FB6];
	_ =	sdelay $0x3  }
0x37: {  	[smem:$0x3FB6] =	sst s10  }
0x38: {  	s10 =	sld [smem:$0x3FB7]  }
0x39: {  	_ = 	snop;
	(pc) =	sbr.ind lr, $3  }
0x3a: {  	_ = 	snop  }
0x3b: {  	_ = 	snop  }
0x3c: {  	p2 =	seq.s32 s10, $0x1;
	s10 =	sld [smem:$0x3FB6]  }
0x3d: {  	_ =	shalt  }
0x3e: {  	_ =	shalt  }
0x3f: {  	_ =	shalt  }
0x40: {  	_ =	shalt  }
0x41: {  	_ =	shalt  }
0x42: {  	_ =	shalt  }
0x43: {  	_ =	shalt  }
0x44: {  	_ =	shalt  }
0x45: {  	_ =	shalt  }
0x46: {  	_ =	shalt  }
0x47: {  	_ =	shalt  }
0x48: {  	_ =	shalt  }
0x49: {  	_ =	shalt  }
0x4a: {  	_ =	shalt  }
0x4b: {  	_ =	shalt  }
0x4c: {  	_ =	shalt  }
0x4d: {  	_ =	shalt  }
0x4e: {  	_ =	shalt  }
0x4f: {  	_ =	shalt  }
0x50: {  	_ =	shalt  }
0x51: {  	_ =	shalt  }
0x52: {  	_ =	shalt  }
0x53: {  	_ =	shalt  }
0x54: {  	_ =	shalt  }
0x55: {  	_ =	shalt  }
0x56: {  	_ =	shalt  }
0x57: {  	_ =	shalt  }
0x58: {  	_ =	shalt  }
0x59: {  	_ =	shalt  }
0x5a: {  	_ =	shalt  }
0x5b: {  	_ =	shalt  }
0x5c: {  	_ =	shalt  }
0x5d: {  	_ =	shalt  }
0x5e: {  	_ =	shalt  }
0x5f: {  	_ =	shalt  }
0x60: {  	_ =	shalt  }
0x61: {  	_ =	shalt  }
0x62: {  	_ =	shalt  }
0x63: {  	_ =	shalt  }
0x64: {  	_ =	shalt  }
0x65: {  	_ =	shalt  }
0x66: {  	_ =	shalt  }
0x67: {  	_ =	shalt  }
0x68: {  	_ =	shalt  }
0x69: {  	_ =	shalt  }
0x6a: {  	_ =	shalt  }
0x6b: {  	_ =	shalt  }
0x6c: {  	_ =	shalt  }
0x6d: {  	_ =	shalt  }
0x6e: {  	_ =	shalt  }
0x6f: {  	_ =	shalt  }
0x70: {  	_ =	shalt  }
0x71: {  	_ =	shalt  }
0x72: {  	_ =	shalt  }
0x73: {  	_ =	shalt  }
0x74: {  	_ =	shalt  }
0x75: {  	_ =	shalt  }
0x76: {  	_ =	shalt  }
0x77: {  	_ =	shalt  }
0x78: {  	_ =	shalt  }
0x79: {  	_ =	shalt  }
0x7a: {  	_ =	shalt  }
0x7b: {  	_ =	shalt  }
0x7c: {  	_ =	shalt  }
0x7d: {  	_ =	shalt  }
0x7e: {  	_ =	shalt  }
0x7f: {  	_ =	shalt  }
0x80: {  	_ =	shalt  }
0x81: {  	_ =	shalt  }
0x82: {  	_ =	shalt  }
0x83: {  	_ =	shalt  }
0x84: {  	_ =	shalt  }
0x85: {  	_ =	shalt  }
0x86: {  	_ =	shalt  }
0x87: {  	_ =	shalt  }
.Lfunc_end0:
.L_simem_size_0:
called_computation.1_lowered:
.L_overlay_start_0:
0x88: {  	s2 =	sld [smem:$0x3FD9]  }
0x89: {  	s3 =	sld [smem:$0x3FFE];
	_ =	sdelay $0x1  }
0x8a: {  	s1 =	srdreg.scid  }
0x8b: {  	s0 =	sand.u32 $0x1, s1  }
0x8c: {  	s17 =	sshll.u32 s0, $0xA;
	s2 =	sadd.s32 s3, s2  }
0x8d: {  	s2 =	sadd.s32 s2, s17  }
0x8e: {  	[smem:$0x3FC2] =	sst s2  }
0x8f: {  	_ = 	snop  }
0x90: {  	s2 =	sld [smem:$0x3FD0];
	(tm) =	ssettm $0x1  }
0x91: {  	s18 =	sld [smem:$0x3FFB];
	_ =	sdelay $0x3  }
0x92: {  	_ =	strace s18  }
0x93: {  	s3 =	sld [smem:$0x3FFC];
	_ =	sdelay $0x3  }
0x94: {  	_ =	strace s3  }
0x95: {  	s3 =	sld [smem:$0x3FFD];
	_ =	sdelay $0x3  }
0x96: {  	_ =	strace s3  }
0x97: {  	_ =	strace $0x8FFFFFFF  }
0x98: {  	s19 =	sld [smem:$0x3FDB];
	_ =	sdelay $0x1  }
0x99: {  	s4 =	simm.s32 $_scs_section_size  }
0x9a: {  	s5 =	simm.s32 $_size__tile_overlayer_lowered;
	s6 =	simm.s32 $_tile_overlayer_lowered  }
0x9b: {  	s22 =	simm.s32 $0x1BFF;
	s21 =	sshll.u32 s6, $0x1;
	s3 =	sadd.s32 s4, s19  }
0x9c: {  	s7 =	simm.s32 $0x0;
	s20 =	sshll.u32 s5, $0x1;
	s5 =	sadd.s32 s21, s3  }
0x9d: {  	[timem:s7], [sflag:s22] =	dma.local [hbm:s5], s20  }
0x9e: {  	_ =	swait.ge [sflag:s22], s20  }
0x9f: {  	s4 =	ssub.s32 $0x0, s20;
	[sflag:s22] =	ssyncset.done $0x0  }
0xa0: {  	[sflag:s22] =	ssyncadd.s32 s4;
	_ =	sdelay $0x1  }
0xa1: {  	s23 =	simm.s32 $0x1B8B  }
0xa2: {  	_ =	swait.ge [sflag:s23], $0x1  }
0xa3: {  	[sflag:s23] =	ssyncset.done $0x0  }
0xa4: {  	s25 =	simm.s32 $0x1B8E;
	s24 =	sld [smem:$0x3FFE];
	[sflag:s23] =	ssyncadd.s32 $0xFFFFFFFF  }
0xa5: {  	s26 =	simm.s32 $execute0_lowered;
	[smem:$0x3FD2] =	sst s25  }
0xa6: {  	s5 =	sshll.u32 s26, $0x1;
	_ =	strace $0x80000049;
	[dreg:$0x1] =	wrdreg $0xFFFFFFFF  }
0xa7: {  	s28 =	simm.s32 $_size_execute0_lowered;
	s3 =	sadd.s32 s3, s5;
	[dreg:$0x0] =	wrdreg $0x0  }
0xa8: {  	s5 =	sshll.u32 s28, $0x1;
	[dreg:$0x2] =	wrdreg s3  }
0xa9: {  	[dreg:$0x3] =	wrdreg s5  }
0xaa: {  	[dreg:$0x4] =	wrdreg $0xC0  }
0xab: {  	_ =	task [dreg:s7], $0x5FFFF  }
0xac: {  	[dreg:$0x1] =	wrdreg $0xFFFFFFFF  }
0xad: {  	[dreg:$0x0] =	wrdreg $0x60  }
0xae: {  	[dreg:$0x2] =	wrdreg s24  }
0xaf: {  	[dreg:$0x3] =	wrdreg s2  }
0xb0: {  	[dreg:$0x4] =	wrdreg $0xED000  }
0xb1: {  	[dreg:$0x5] =	wrdreg $0x105800  }
0xb2: {  	[dreg:$0x6] =	wrdreg $0x9  }
0xb3: {  	_ =	task.clear_ibuf [dreg:s7], $0x7FFFF;
	_ =	strace $0x90000049  }
0xb4: {  	s29 =	simm.s32 $0x9;
	_ =	strace $0x8000004B  }
0xb5: {  	_ =	swait.ge [sflag:s29], $0x1  }
0xb6: {  	[sflag:s29] =	ssyncadd.s32 $0xFFFFFFFF  }
0xb7: {  	_ =	strace $0x9000004B  }
0xb8: {  	_ =	sfence  }
0xb9: {  	s30 =	sld [smem:$0x0];
	_ =	sdelay $0x2  }
0xba: {  	s31 =	sshll.u32 s1, $0xD;
	s1 =	sshrl.u32 s1, $0x2  }
0xbb: {  	s3 =	sand.u32 $0x4000, s31;
	s1 =	sadd.s32 s1, s30  }
0xbc: {  	s0 =	sor.u32 s3, s0;
	s1 =	sshll.u32 s1, $0x11  }
0xbd: {  	s0 =	sor.u32 s1, s0  }
0xbe: {  	s0 =	sadd.s32 $0x8F2B, s0  }
0xbf: {  	[sflag:s0] =	ssyncadd.remote.s32 $0x1  }
0xc0: {  	_ =	sfence.sel $0xFFFF  }
0xc1: {  	[dreg:$0x0] =	wrdreg $0xFFFFFFFF;
	(pc) =	sbr.abs _section_cstart, $3  }
0xc2: {  	[dreg:$0x1] =	wrdreg $0xFFFFFFFF  }
0xc3: {  	_ =	task.clear_ibuf [dreg:s7], $0x2FFFF;
	_ =	strace $0x9FFFFFFF  }
0xc4: {  	(tm) =	ssettm $0x7FFFFFFF  }
0xc5: {  	_ =	shalt  }
tec
execute0_lowered:
.L_overlay_start_1:
0x0: {  	(tag) =	ssettag $0x1  }
0x1: {  	s0 =	rddreg [dreg:$0x0]  }
0x2: {  	s1 =	rddreg [dreg:$0x1]  }
0x3: {  	s2 =	rddreg [dreg:$0x2]  }
0x4: {  	s3 =	rddreg [dreg:$0x3];
	s15 =	stileid.u32  }
0x5: {  	s4 =	simm.s32 $0x0;
	s5 =	srdreg.scid;
	s28 =	simm.s32 $0xC580  }
0x6: {  	s29 =	simm.s32 $0x1;
	s30 =	simm.s32 $0x2;
	s31 =	simm.s32 $0x0  }
0x7: {  	s7 =	smul.u32 $0x1880, s15;
	[smem:$0x7FF] =	sst s4;
	s9 =	sand.u32 $0x1, s5  }
0x8: {  	s5 =	sadd.s32 $0x64800, s0;
	s6 =	sadd.s32 $0x2C00, s0;
	s13 =	sshll.u32 s15, $0x1  }
0x9: {  	s19 =	sshll.u32 s15, $0x6;
	s21 =	smul.u32 $0x30D40, s15;
	_ =	strace $0x8000004A  }
0xa: {  	s8 =	smul.u32 $0x18800, s9;
	s12 =	ssub.s32 $0x2, s9;
	s13 =	sor.u32 s9, s13  }
0xb: {  	s22 =	smul.u32 $0x186A0, s9;
	s10 =	sshrl.u32 s7, $0x3;
	s14 =	sshrl.u32 s12, $0x1  }
0xc: {  	s13 =	smul.u32 $0x186A0, s13;
	s20 =	sadd.s32 s7, s2;
	s11 =	sadd.s32 s10, s0  }
0xd: {  	s8 =	sadd.s32 s7, s8;
	s12 =	ssub.s32 s12, s14;
	s7 =	sadd.s32 s7, s3  }
0xe: {  	s1 =	sadd.s32 s1, s10;
	s24 =	sadd.s32 s22, s21;
	s20 =	sshrl.u32 s20, $0x3  }
0xf: {  	s21 =	simm.s32 $0x3;
	s22 =	simm.s32 $0x4F00;
	[dreg:$0x6] =	wrdreg s7  }
0x10: {  	s8 =	sshrl.u32 s8, $0x3;
	s11 =	sadd.s32 $0xC6400, s11;
	[dreg:$0x7] =	wrdreg s1  }
0x11: {  	s12 =	smax.u32 s12, $0x1;
	s23 =	sshrl.u32 s13, $0x3;
	s16 =	sadd.s32 $0x7530, s24  }
0x12: {  	s0 =	sadd.s32 s8, s0;
	[dreg:$0x5] =	wrdreg s11;
	s8 =	sor.u32 $0x1C03, s19  }
0x13: {  	s13 =	sadd.s32 s5, s23;
	s25 =	sadd.s32 $0x4E2, s23;
	s14 =	sadd.s32 s6, s23  }
0x14: {  	s26 =	sshrl.u32 s16, $0x3;
	s19 =	sadd.s32 $0x4E20, s24;
	s23 =	simm.s32 $0x2710  }
0x15: {  	s24 =	simm.s32 $0x9E00;
	s0 =	sadd.s32 $0xC9600, s0;
	s15 =	sadd.s32 s5, s25  }
0x16: {  	s16 =	sadd.s32 s6, s25;
	s17 =	sadd.s32 s26, s6;
	s18 =	sadd.s32 s26, s5  }
0x17: {  	s25 =	simm.s32 $0x2780;
	s26 =	simm.s32 $0x7680;
	[dreg:$0x8] =	wrdreg s0  }
.LBB2_1:
0x18: {  	s0 =	rddreg [dreg:$0x5]  }
0x19: {  	[spmem:s20], [sflag:s8] =	dma.local [hbm:s0], $0x310  }
0x1a: {  	_ =	swait.ge [sflag:s21], $0x310  }
0x1b: {  	[sflag:s21] =	ssyncset.done $0x0;
	s7 =	rddreg [dreg:$0x6]  }
0x1c: {  	s1 =	rddreg [dreg:$0x7];
	[sflag:s21] =	ssyncadd.s32 $0xFFFFFCF0;
	s0 =	sshrl.u32 s7, $0x3  }
0x1d: {  	[spmem:s0], [sflag:s8] =	dma.local [hbm:s1], $0x310  }
0x1e: {  	_ =	swait.ge [sflag:s21], $0x310  }
0x1f: {  	[sflag:s21] =	ssyncset.done $0x0  }
0x20: {  	[sflag:s21] =	ssyncadd.s32 $0xFFFFFCF0  }
0x21: {  	[bflag:$0x0] =	sbarrier.arrive $0xFFFF  }
0x22: {  	[tilespmem:s4], [sflag:$0x3] =	stream.linear.gather [hbm4b:s13+s4], $0x2710, $0x38;
	[tilespmem:$0x11E00] =	vst v63  }
0x23: {  	_ =	swait.ge [sflag:s21], $0x2710  }
0x24: {  	[sflag:s21] =	ssyncset.done $0x0  }
0x25: {  	[sflag:s21] =	ssyncadd.s32 $0xFFFFD8F0  }
0x26: {  	[tilespmem:s22], [sflag:$0x3] =	stream.linear.gather [hbm4b:s14+s4], $0x2710, $0x38;
	[tilespmem:$0x11E00] =	vst v63  }
0x27: {  	_ =	swait.ge [sflag:s21], $0x2710  }
0x28: {  	[sflag:s21] =	ssyncset.done $0x0  }
0x29: {  	[sflag:s21] =	ssyncadd.s32 $0xFFFFD8F0  }
0x2a: {  	[tilespmem:s24], [sflag:$0x3] =	stream.indirect.gather [spmem:s2], $0x1, s4, s23, $0xb8;
	[tilespmem:$0x11E00] =	vst v63  }
0x2b: {  	_ =	swait.ge [sflag:s21], $0x2710  }
0x2c: {  	[sflag:s21] =	ssyncset.done $0x0  }
0x2d: {  	[sflag:s21] =	ssyncadd.s32 $0xFFFFD8F0  }
0x2e: {  	[spmem:s3] =	stream.indirect.scatter.add.f32 [tilespmem:s24], [sflag:$0x1], $0x1, s22, s23, $0xb8;
	[tilespmem:$0x11E00] =	vst v63  }
0x2f: {  	_ = 	snop  }
0x30: {  	[tilespmem:s25], [sflag:$0x3] =	stream.linear.gather [hbm4b:s15+s4], $0x2710, $0x38;
	[tilespmem:$0x11E00] =	vst v63  }
0x31: {  	_ =	swait.ge [sflag:s21], $0x2710  }
0x32: {  	[sflag:s21] =	ssyncset.done $0x0  }
0x33: {  	[sflag:s21] =	ssyncadd.s32 $0xFFFFD8F0  }
0x34: {  	[tilespmem:s26], [sflag:$0x3] =	stream.linear.gather [hbm4b:s16+s4], $0x2710, $0x38;
	[tilespmem:$0x11E00] =	vst v63  }
0x35: {  	_ =	swait.ge [sflag:s21], $0x2710  }
0x36: {  	[sflag:s21] =	ssyncset.done $0x0  }
0x37: {  	[sflag:s21] =	ssyncadd.s32 $0xFFFFD8F0  }
0x38: {  	[tilespmem:s28], [sflag:$0x3] =	stream.indirect.gather [spmem:s2], $0x1, s25, s23, $0xb8;
	[tilespmem:$0x11E00] =	vst v63  }
0x39: {  	_ =	swait.ge [sflag:s21], $0x2710  }
0x3a: {  	[sflag:s21] =	ssyncset.done $0x0  }
0x3b: {  	[sflag:s21] =	ssyncadd.s32 $0xFFFFD8F0  }
0x3c: {  	[spmem:s3] =	stream.indirect.scatter.add.f32 [tilespmem:s28], [sflag:$0x2], $0x1, s26, s23, $0xb8;
	[tilespmem:$0x11E00] =	vst v63  }
0x3d: {  	_ =	swait.ge [sflag:s29], $0x2710  }
0x3e: {  	s9 =	sshrl.u32 s19, $0x3;
	[sflag:s29] =	ssyncset.done $0x0  }
0x3f: {  	s7 =	sadd.s32 s5, s9;
	[sflag:s29] =	ssyncadd.s32 $0xFFFFD8F0  }
0x40: {  	[tilespmem:s4], [sflag:$0x3] =	stream.linear.gather [hbm4b:s7+s4], $0x2710, $0x38;
	[tilespmem:$0x11E00] =	vst v63  }
0x41: {  	_ =	swait.ge [sflag:s21], $0x2710  }
0x42: {  	[sflag:s21] =	ssyncset.done $0x0  }
0x43: {  	s1 =	sadd.s32 s6, s9;
	[sflag:s21] =	ssyncadd.s32 $0xFFFFD8F0  }
0x44: {  	[tilespmem:s22], [sflag:$0x3] =	stream.linear.gather [hbm4b:s1+s4], $0x2710, $0x38;
	[tilespmem:$0x11E00] =	vst v63  }
0x45: {  	_ =	swait.ge [sflag:s21], $0x2710  }
0x46: {  	[sflag:s21] =	ssyncset.done $0x0  }
0x47: {  	[sflag:s21] =	ssyncadd.s32 $0xFFFFD8F0  }
0x48: {  	[tilespmem:s24], [sflag:$0x3] =	stream.indirect.gather [spmem:s2], $0x1, s4, s23, $0xb8;
	[tilespmem:$0x11E00] =	vst v63  }
0x49: {  	_ =	swait.ge [sflag:s21], $0x2710  }
0x4a: {  	[sflag:s21] =	ssyncset.done $0x0  }
0x4b: {  	[sflag:s21] =	ssyncadd.s32 $0xFFFFD8F0  }
0x4c: {  	[spmem:s3] =	stream.indirect.scatter.add.f32 [tilespmem:s24], [sflag:$0x1], $0x1, s22, s23, $0xb8;
	[tilespmem:$0x11E00] =	vst v63  }
0x4d: {  	_ =	swait.ge [sflag:s30], $0x2710  }
0x4e: {  	[sflag:s30] =	ssyncset.done $0x0  }
0x4f: {  	s10 =	sadd.s32 $0x0, s18;
	[sflag:s30] =	ssyncadd.s32 $0xFFFFD8F0  }
0x50: {  	[tilespmem:s25], [sflag:$0x3] =	stream.linear.gather [hbm4b:s10+s4], $0x2710, $0x38;
	[tilespmem:$0x11E00] =	vst v63  }
0x51: {  	_ =	swait.ge [sflag:s21], $0x2710  }
0x52: {  	[sflag:s21] =	ssyncset.done $0x0  }
0x53: {  	s11 =	sadd.s32 $0x0, s17;
	[sflag:s21] =	ssyncadd.s32 $0xFFFFD8F0  }
0x54: {  	[tilespmem:s26], [sflag:$0x3] =	stream.linear.gather [hbm4b:s11+s4], $0x2710, $0x38;
	[tilespmem:$0x11E00] =	vst v63  }
0x55: {  	_ =	swait.ge [sflag:s21], $0x2710  }
0x56: {  	[sflag:s21] =	ssyncset.done $0x0  }
0x57: {  	[sflag:s21] =	ssyncadd.s32 $0xFFFFD8F0  }
0x58: {  	[tilespmem:s28], [sflag:$0x3] =	stream.indirect.gather [spmem:s2], $0x1, s25, s23, $0xb8;
	[tilespmem:$0x11E00] =	vst v63  }
0x59: {  	_ =	swait.ge [sflag:s21], $0x2710  }
0x5a: {  	[sflag:s21] =	ssyncset.done $0x0  }
0x5b: {  	s7 =	sadd.s32 $0x4E20, s19;
	s1 =	simm.s32 $0x9C4;
	[sflag:s21] =	ssyncadd.s32 $0xFFFFD8F0  }
.LBB2_2:
0x5c: {  	[spmem:s3] =	stream.indirect.scatter.add.f32 [tilespmem:s28], [sflag:$0x2], $0x1, s26, s23, $0xb8;
	[tilespmem:$0x11E00] =	vst v63  }
0x5d: {  	s9 =	smov.u32 s1  }
0x5e: {  	p0 =	sne.s32 s1, $0x1D4C;
	s1 =	sadd.s32 $0x9C4, s1;
	_ =	swait.ge [sflag:s29], $0x2710  }
0x5f: {  	s10 =	sshrl.u32 s7, $0x3;
	[sflag:s29] =	ssyncset.done $0x0  }
0x60: {  	s11 =	sadd.s32 s5, s10;
	[sflag:s29] =	ssyncadd.s32 $0xFFFFD8F0  }
0x61: {  	[tilespmem:s4], [sflag:$0x3] =	stream.linear.gather [hbm4b:s11+s4], $0x2710, $0x38;
	[tilespmem:$0x11E00] =	vst v63  }
0x62: {  	_ =	swait.ge [sflag:s21], $0x2710  }
0x63: {  	[sflag:s21] =	ssyncset.done $0x0  }
0x64: {  	s10 =	sadd.s32 s6, s10;
	[sflag:s21] =	ssyncadd.s32 $0xFFFFD8F0  }
0x65: {  	[tilespmem:s22], [sflag:$0x3] =	stream.linear.gather [hbm4b:s10+s4], $0x2710, $0x38;
	[tilespmem:$0x11E00] =	vst v63  }
0x66: {  	_ =	swait.ge [sflag:s21], $0x2710  }
0x67: {  	[sflag:s21] =	ssyncset.done $0x0  }
0x68: {  	[sflag:s21] =	ssyncadd.s32 $0xFFFFD8F0  }
0x69: {  	[tilespmem:s24], [sflag:$0x3] =	stream.indirect.gather [spmem:s2], $0x1, s4, s23, $0xb8;
	[tilespmem:$0x11E00] =	vst v63  }
0x6a: {  	_ =	swait.ge [sflag:s21], $0x2710  }
0x6b: {  	[sflag:s21] =	ssyncset.done $0x0  }
0x6c: {  	[sflag:s21] =	ssyncadd.s32 $0xFFFFD8F0  }
0x6d: {  	[spmem:s3] =	stream.indirect.scatter.add.f32 [tilespmem:s24], [sflag:$0x1], $0x1, s22, s23, $0xb8;
	[tilespmem:$0x11E00] =	vst v63  }
0x6e: {  	_ =	swait.ge [sflag:s30], $0x2710  }
0x6f: {  	[sflag:s30] =	ssyncset.done $0x0  }
0x70: {  	s10 =	sadd.s32 s9, s18;
	[sflag:s30] =	ssyncadd.s32 $0xFFFFD8F0  }
0x71: {  	[tilespmem:s25], [sflag:$0x3] =	stream.linear.gather [hbm4b:s10+s4], $0x2710, $0x38;
	[tilespmem:$0x11E00] =	vst v63  }
0x72: {  	_ =	swait.ge [sflag:s21], $0x2710  }
0x73: {  	[sflag:s21] =	ssyncset.done $0x0  }
0x74: {  	s9 =	sadd.s32 s9, s17;
	[sflag:s21] =	ssyncadd.s32 $0xFFFFD8F0  }
0x75: {  	[tilespmem:s26], [sflag:$0x3] =	stream.linear.gather [hbm4b:s9+s4], $0x2710, $0x38;
	[tilespmem:$0x11E00] =	vst v63  }
0x76: {  	_ =	swait.ge [sflag:s21], $0x2710  }
0x77: {  	[sflag:s21] =	ssyncset.done $0x0  }
.Ltmp0:
0x78: {  	[sflag:s21] =	ssyncadd.s32 $0xFFFFD8F0;
	(pc) =	sbr.rel @p0 .LBB2_2-.Ltmp0, $4  }
0x79: {  	[tilespmem:s28], [sflag:$0x3] =	stream.indirect.gather [spmem:s2], $0x1, s25, s23, $0xb8;
	[tilespmem:$0x11E00] =	vst v63  }
0x7a: {  	_ =	swait.ge [sflag:s21], $0x2710  }
0x7b: {  	[sflag:s21] =	ssyncset.done $0x0  }
0x7c: {  	s7 =	sadd.s32 $0x4E20, s7;
	[sflag:s21] =	ssyncadd.s32 $0xFFFFD8F0  }
0x7d: {  	[spmem:s3] =	stream.indirect.scatter.add.f32 [tilespmem:s28], [sflag:$0x2], $0x1, s26, s23, $0xb8;
	[tilespmem:$0x11E00] =	vst v63  }
0x7e: {  	_ =	swait.ge [sflag:s29], $0x2710  }
0x7f: {  	[sflag:s29] =	ssyncset.done $0x0  }
0x80: {  	[sflag:s29] =	ssyncadd.s32 $0xFFFFD8F0  }
0x81: {  	_ =	swait.ge [sflag:s30], $0x2710  }
0x82: {  	[sflag:s30] =	ssyncset.done $0x0  }
0x83: {  	s31 =	sadd.s32 $0x1, s31;
	[sflag:s30] =	ssyncadd.s32 $0xFFFFD8F0  }
0x84: {  	p0 =	sne.s32 s31, s12;
	[bflag:$0x0] =	sbarrier.arrive $0xFFFF  }
.Ltmp1:
0x85: {  	s1 =	rddreg [dreg:$0x8];
	(pc) =	sbr.rel @p0 .LBB2_1-.Ltmp1, $4  }
0x86: {  	[hbm:s1], [sflag:s8] =	dma.local [spmem:s0], $0x310  }
0x87: {  	_ =	swait.ge [sflag:s21], $0x310  }
0x88: {  	[sflag:s21] =	ssyncset.done $0x0  }
0x89: {  	[sflag:s21] =	ssyncadd.s32 $0xFFFFFCF0  }
0x8a: {  	_ =	sfence.sel $0x180000  }
0x8b: {  	[bflag:$0x0] =	sbarrier.arrive $0xFFFF  }
0x8c: {  	_ =	strace $0x9000004A  }
0x8d: {  	s0 =	stileid.u32;
	[bflag:$0x2] =	sbarrier.arrive $0xFFFF  }
0x8e: {  	p0 =	sne.s32 s0, $0x0;
	s0 =	rddreg [dreg:$0x4]  }
0x8f: {  	s0 =	sadd.s32 @!p0 $0x100000, s0  }
0x90: {  	[sflag:s0] =	ssyncadd.tile.s32 @!p0 $0x1;
	_ =	shalt  }
.Lfunc_end2:
_tile_overlayer_lowered:
.L_overlay_start_2:
0x91: {  	(tag) =	ssettag $0x2  }
0x92: {  	s0 =	rddreg [dreg:$0x0];
	s2 =	stileid.u32  }
0x93: {  	s1 =	rddreg [dreg:$0x1];
	p0 =	sne.s32 s2, $0x0  }
0x94: {  	s3 =	rddreg [dreg:$0x2];
	[bflag:$0x3] =	sbarrier.arrive $0xFFFF;
	s2 =	simm.s32 @!p0 $0x1C03  }
0x95: {  	[timem:s3], [sflag:s2] =	dma.local @!p0 [hbm:s0], s1  }
0x96: {  	s0 =	simm.s32 @!p0 $0x3  }
0x97: {  	_ =	swait.ge @!p0 [sflag:s0], s1  }
0x98: {  	s1 =	ssub.s32 @!p0 $0x0, s1;
	[sflag:s0] =	ssyncset.done @!p0 $0x0  }
0x99: {  	[sflag:s0] =	ssyncadd.s32 @!p0 s1  }
0x9a: {  	[bflag:$0x3] =	sbarrier.arrive $0xFFFF  }
0x9b: {  	_ =	shalt  }

// kernel: kernel.14.cloned.1.call-start
scs
__scs_entry_jumppad:
0x0: {  	(pc) =	sbr.rel $0x88, $3  }
0x1: {  	(tag) =	ssettag $0x0;
	lr =	simm.s32 $0x1  }
0x2: {  	[smem:$0x3F9B] =	sst lr;
	_ =	strace $0xD0000000  }
0x3: {  	_ = 	snop  }
0x4: {  	_ = 	snop  }
0x5: {  	_ = 	snop  }
0x6: {  	_ = 	snop  }
0x7: {  	_ = 	snop  }
__scs_overlays_trampoline_lowered:
0x8: {  	[smem:$0x3FAA] =	sst s0  }
0x9: {  	[smem:$0x3FAB] =	sst s1  }
0xa: {  	[smem:$0x3FAC] =	sst s2  }
0xb: {  	[smem:$0x3FAD] =	sst s3  }
0xc: {  	[smem:$0x3FAE] =	sst s4  }
0xd: {  	[smem:$0x3FAF] =	sst s5  }
0xe: {  	[smem:$0x3FB0] =	sst s6  }
0xf: {  	[smem:$0x3FB1] =	sst s7  }
0x10: {  	[smem:$0x3FB2] =	sst s8  }
0x11: {  	[smem:$0x3FB3] =	sst s9;
	s0 =	simm.s32 @!p0 $0x0  }
0x12: {  	s1 =	sld [smem:$0x3F99];
	s0 =	simm.s32 @p0 $0x1  }
0x13: {  	[smem:$0x3FB4] =	sst s0;
	s0 =	simm.s32 @!p1 $0x0  }
0x14: {  	s2 =	sld [smem:$0x3F98];
	s0 =	simm.s32 @p1 $0x1  }
0x15: {  	[smem:$0x3FB5] =	sst s0;
	s0 =	simm.s32 @!p2 $0x0  }
0x16: {  	s3 =	sld [smem:$0x3FDB];
	s0 =	simm.s32 @p2 $0x1  }
0x17: {  	s4 =	simm.s32 $0x1BF5;
	[smem:$0x3FB7] =	sst s0  }
0x18: {  	s0 =	sld [smem:$0x3F9A];
	_ =	swait.ge [sflag:s4], $0x0  }
0x19: {  	s7 =	sld [smem:$0x3F9B]  }
0x1a: {  	s8 =	sadd.s32 $0xFFFFE003, lr  }
0x1b: {  	s9 =	sadd.s32 $0xFFFFFEF7, lr;
	s5 =	simm.s32 $0xFFFFFFFF;
	p2 =	slt.u32 s8, $0xFFFFF086  }
0x1c: {  	p1 =	slt.u32 s9, $0xF7A;
	s5 =	simm.s32 @!p2 $0x0  }
0x1d: {  	s5 =	simm.s32 @p1 $0x1;
	p0 =	seq.s32 s7, s2  }
0x1e: {  	s7 =	smul.u32 @!p0 $0xF7A, s2;
	p2 =	seq.s32 @!p0 s5, $0x0  }
0x1f: {  	s9 =	smul.u32 $0xF7A, s1;
	s8 =	simm.s32 @!p0 $0x1BF5;
	p2 =	por !p2, p0  }
0x20: {  	[sflag:s8] =	ssyncset.s32 @!p0 $0xFFFFF086;
	s6 =	sadd.s32 @!p0 s3, s7;
	s7 =	simm.s32 @!p0 $0x108  }
0x21: {  	s3 =	sadd.s32 s3, s9;
	s6 =	sadd.s32 @!p0 $0x88, s6;
	s7 =	simm.s32 @p2 $0x1082  }
0x22: {  	[simem:s7], [sflag:s8] =	dma.local @!p0 [hbm:s6], $0xF7A  }
0x23: {  	s9 =	sor.u32 $0xD0000000, s2;
	s6 =	simm.s32 $0x108;
	_ =	swait.ge @!p0 [sflag:s8], $0x0  }
0x24: {  	s3 =	sadd.s32 $0x88, s3;
	s6 =	simm.s32 @!p1 $0x1082;
	[sflag:s4] =	ssyncset.s32 $0xFFFFF086  }
0x25: {  	[simem:s6], [sflag:s4] =	dma.local [hbm:s3], $0xF7A  }
0x26: {  	[smem:$0x3F9B] =	sst s1;
	(tag) =	ssettag s2;
	_ =	strace s9  }
0x27: {  	s1 =	sld [smem:$0x3FAB]  }
0x28: {  	s2 =	sld [smem:$0x3FAC]  }
0x29: {  	s4 =	sld [smem:$0x3FAE]  }
0x2a: {  	p0 =	seq.s32 s5, $0x0;
	s5 =	sld [smem:$0x3FAF]  }
0x2b: {  	s6 =	sld [smem:$0x3FB0]  }
0x2c: {  	s7 =	sld [smem:$0x3FB1]  }
0x2d: {  	s3 =	simm.s32 $0x108;
	s8 =	sld [smem:$0x3FB2]  }
0x2e: {  	s3 =	simm.s32 @!p0 $0x1082;
	s9 =	sld [smem:$0x3FB3]  }
0x2f: {  	lr =	sadd.s32 s0, s3;
	s0 =	sld [smem:$0x3FAA]  }
0x30: {  	s3 =	sld [smem:$0x3FAD]  }
0x31: {  	[smem:$0x3FB6] =	sst s10  }
0x32: {  	s10 =	sld [smem:$0x3FB4];
	_ =	sdelay $0x3  }
0x33: {  	p0 =	seq.s32 s10, $0x1;
	s10 =	sld [smem:$0x3FB6];
	_ =	sdelay $0x3  }
0x34: {  	[smem:$0x3FB6] =	sst s10  }
0x35: {  	s10 =	sld [smem:$0x3FB5];
	_ =	sdelay $0x3  }
0x36: {  	p1 =	seq.s32 s10, $0x1;
	s10 =	sld [smem:$0x3FB6];
	_ =	sdelay $0x3  }
0x37: {  	[smem:$0x3FB6] =	sst s10  }
0x38: {  	s10 =	sld [smem:$0x3FB7]  }
0x39: {  	_ = 	snop;
	(pc) =	sbr.ind lr, $3  }
0x3a: {  	_ = 	snop  }
0x3b: {  	_ = 	snop  }
0x3c: {  	p2 =	seq.s32 s10, $0x1;
	s10 =	sld [smem:$0x3FB6]  }
0x3d: {  	_ =	shalt  }
0x3e: {  	_ =	shalt  }
0x3f: {  	_ =	shalt  }
0x40: {  	_ =	shalt  }
0x41: {  	_ =	shalt  }
0x42: {  	_ =	shalt  }
0x43: {  	_ =	shalt  }
0x44: {  	_ =	shalt  }
0x45: {  	_ =	shalt  }
0x46: {  	_ =	shalt  }
0x47: {  	_ =	shalt  }
0x48: {  	_ =	shalt  }
0x49: {  	_ =	shalt  }
0x4a: {  	_ =	shalt  }
0x4b: {  	_ =	shalt  }
0x4c: {  	_ =	shalt  }
0x4d: {  	_ =	shalt  }
0x4e: {  	_ =	shalt  }
0x4f: {  	_ =	shalt  }
0x50: {  	_ =	shalt  }
0x51: {  	_ =	shalt  }
0x52: {  	_ =	shalt  }
0x53: {  	_ =	shalt  }
0x54: {  	_ =	shalt  }
0x55: {  	_ =	shalt  }
0x56: {  	_ =	shalt  }
0x57: {  	_ =	shalt  }
0x58: {  	_ =	shalt  }
0x59: {  	_ =	shalt  }
0x5a: {  	_ =	shalt  }
0x5b: {  	_ =	shalt  }
0x5c: {  	_ =	shalt  }
0x5d: {  	_ =	shalt  }
0x5e: {  	_ =	shalt  }
0x5f: {  	_ =	shalt  }
0x60: {  	_ =	shalt  }
0x61: {  	_ =	shalt  }
0x62: {  	_ =	shalt  }
0x63: {  	_ =	shalt  }
0x64: {  	_ =	shalt  }
0x65: {  	_ =	shalt  }
0x66: {  	_ =	shalt  }
0x67: {  	_ =	shalt  }
0x68: {  	_ =	shalt  }
0x69: {  	_ =	shalt  }
0x6a: {  	_ =	shalt  }
0x6b: {  	_ =	shalt  }
0x6c: {  	_ =	shalt  }
0x6d: {  	_ =	shalt  }
0x6e: {  	_ =	shalt  }
0x6f: {  	_ =	shalt  }
0x70: {  	_ =	shalt  }
0x71: {  	_ =	shalt  }
0x72: {  	_ =	shalt  }
0x73: {  	_ =	shalt  }
0x74: {  	_ =	shalt  }
0x75: {  	_ =	shalt  }
0x76: {  	_ =	shalt  }
0x77: {  	_ =	shalt  }
0x78: {  	_ =	shalt  }
0x79: {  	_ =	shalt  }
0x7a: {  	_ =	shalt  }
0x7b: {  	_ =	shalt  }
0x7c: {  	_ =	shalt  }
0x7d: {  	_ =	shalt  }
0x7e: {  	_ =	shalt  }
0x7f: {  	_ =	shalt  }
0x80: {  	_ =	shalt  }
0x81: {  	_ =	shalt  }
0x82: {  	_ =	shalt  }
0x83: {  	_ =	shalt  }
0x84: {  	_ =	shalt  }
0x85: {  	_ =	shalt  }
0x86: {  	_ =	shalt  }
0x87: {  	_ =	shalt  }
.Lfunc_end0:
.L_simem_size_0:
called_computation.2_lowered:
.L_overlay_start_0:
0x88: {  	s2 =	sld [smem:$0x3FD9]  }
0x89: {  	s3 =	sld [smem:$0x3FFE];
	_ =	sdelay $0x1  }
0x8a: {  	s1 =	srdreg.scid  }
0x8b: {  	s0 =	sand.u32 $0x1, s1  }
0x8c: {  	s17 =	sshll.u32 s0, $0xA;
	s2 =	sadd.s32 s3, s2  }
0x8d: {  	s2 =	sadd.s32 s2, s17  }
0x8e: {  	[smem:$0x3FC2] =	sst s2  }
0x8f: {  	_ = 	snop  }
0x90: {  	s2 =	sld [smem:$0x3FD0];
	(tm) =	ssettm $0x1  }
0x91: {  	s18 =	sld [smem:$0x3FFB];
	_ =	sdelay $0x3  }
0x92: {  	_ =	strace s18  }
0x93: {  	s3 =	sld [smem:$0x3FFC];
	_ =	sdelay $0x3  }
0x94: {  	_ =	strace s3  }
0x95: {  	s3 =	sld [smem:$0x3FFD];
	_ =	sdelay $0x3  }
0x96: {  	_ =	strace s3  }
0x97: {  	_ =	strace $0x8FFFFFFF  }
0x98: {  	s19 =	sld [smem:$0x3FDB];
	_ =	sdelay $0x1  }
0x99: {  	s4 =	simm.s32 $_scs_section_size  }
0x9a: {  	s5 =	simm.s32 $_size__tile_overlayer_lowered;
	s6 =	simm.s32 $_tile_overlayer_lowered  }
0x9b: {  	s22 =	simm.s32 $0x1BFF;
	s21 =	sshll.u32 s6, $0x1;
	s3 =	sadd.s32 s4, s19  }
0x9c: {  	s7 =	simm.s32 $0x0;
	s20 =	sshll.u32 s5, $0x1;
	s5 =	sadd.s32 s21, s3  }
0x9d: {  	[timem:s7], [sflag:s22] =	dma.local [hbm:s5], s20  }
0x9e: {  	_ =	swait.ge [sflag:s22], s20  }
0x9f: {  	s4 =	ssub.s32 $0x0, s20;
	[sflag:s22] =	ssyncset.done $0x0  }
0xa0: {  	[sflag:s22] =	ssyncadd.s32 s4;
	_ =	sdelay $0x1  }
0xa1: {  	s23 =	simm.s32 $0x1B8B  }
0xa2: {  	_ =	swait.ge [sflag:s23], $0x1  }
0xa3: {  	[sflag:s23] =	ssyncset.done $0x0  }
0xa4: {  	s25 =	simm.s32 $0x1B8E;
	s24 =	sld [smem:$0x3FFE];
	[sflag:s23] =	ssyncadd.s32 $0xFFFFFFFF  }
0xa5: {  	s26 =	simm.s32 $execute0_lowered;
	[smem:$0x3FD2] =	sst s25  }
0xa6: {  	s5 =	sshll.u32 s26, $0x1;
	_ =	strace $0x8000004C;
	[dreg:$0x1] =	wrdreg $0xFFFFFFFF  }
0xa7: {  	s28 =	simm.s32 $_size_execute0_lowered;
	s3 =	sadd.s32 s3, s5;
	[dreg:$0x0] =	wrdreg $0x0  }
0xa8: {  	s5 =	sshll.u32 s28, $0x1;
	[dreg:$0x2] =	wrdreg s3  }
0xa9: {  	[dreg:$0x3] =	wrdreg s5  }
0xaa: {  	[dreg:$0x4] =	wrdreg $0xC0  }
0xab: {  	_ =	task [dreg:s7], $0x5FFFF  }
0xac: {  	[dreg:$0x1] =	wrdreg $0xFFFFFFFF  }
0xad: {  	[dreg:$0x0] =	wrdreg $0x60  }
0xae: {  	[dreg:$0x2] =	wrdreg s24  }
0xaf: {  	[dreg:$0x3] =	wrdreg s2  }
0xb0: {  	[dreg:$0x4] =	wrdreg $0x13C000  }
0xb1: {  	[dreg:$0x5] =	wrdreg $0x154800  }
0xb2: {  	[dreg:$0x6] =	wrdreg $0x16D000  }
0xb3: {  	[dreg:$0x7] =	wrdreg $0x185800  }
0xb4: {  	[dreg:$0x8] =	wrdreg $0x9  }
0xb5: {  	_ =	task.clear_ibuf [dreg:s7], $0x9FFFF;
	_ =	strace $0x9000004C  }
0xb6: {  	s29 =	simm.s32 $0x9;
	_ =	strace $0x8000004E  }
0xb7: {  	_ =	swait.ge [sflag:s29], $0x1  }
0xb8: {  	[sflag:s29] =	ssyncadd.s32 $0xFFFFFFFF  }
0xb9: {  	_ =	strace $0x9000004E  }
0xba: {  	_ =	sfence  }
0xbb: {  	s30 =	sld [smem:$0x0];
	_ =	sdelay $0x2  }
0xbc: {  	s31 =	sshll.u32 s1, $0xD;
	s1 =	sshrl.u32 s1, $0x2  }
0xbd: {  	s3 =	sand.u32 $0x4000, s31;
	s1 =	sadd.s32 s1, s30  }
0xbe: {  	s0 =	sor.u32 s3, s0;
	s1 =	sshll.u32 s1, $0x11  }
0xbf: {  	s0 =	sor.u32 s1, s0  }
0xc0: {  	s0 =	sadd.s32 $0x8F2B, s0  }
0xc1: {  	[sflag:s0] =	ssyncadd.remote.s32 $0x1  }
0xc2: {  	_ =	sfence.sel $0xFFFF  }
0xc3: {  	[dreg:$0x0] =	wrdreg $0xFFFFFFFF;
	(pc) =	sbr.abs _section_cstart, $3  }
0xc4: {  	[dreg:$0x1] =	wrdreg $0xFFFFFFFF  }
0xc5: {  	_ =	task.clear_ibuf [dreg:s7], $0x2FFFF;
	_ =	strace $0x9FFFFFFF  }
0xc6: {  	(tm) =	ssettm $0x7FFFFFFF  }
0xc7: {  	_ =	shalt  }
tec
execute0_lowered:
.L_overlay_start_1:
0x0: {  	(tag) =	ssettag $0x1  }
0x1: {  	s0 =	rddreg [dreg:$0x0]  }
0x2: {  	s2 =	rddreg [dreg:$0x1]  }
0x3: {  	s1 =	rddreg [dreg:$0x2]  }
0x4: {  	s3 =	rddreg [dreg:$0x3]  }
0x5: {  	s4 =	rddreg [dreg:$0x4]  }
0x6: {  	s5 =	rddreg [dreg:$0x5]  }
0x7: {  	s17 =	stileid.u32;
	s7 =	srdreg.scid  }
0x8: {  	s6 =	simm.s32 $0x0;
	s28 =	simm.s32 $0x2780;
	s29 =	simm.s32 $0x7680  }
0x9: {  	s30 =	simm.s32 $0xC580;
	s31 =	simm.s32 $0x11480;
	s9 =	smul.u32 $0x1880, s17  }
0xa: {  	s7 =	sand.u32 $0x1, s7;
	[smem:$0x7FF] =	sst s6;
	s10 =	sadd.s32 $0x64800, s0  }
0xb: {  	s12 =	sadd.s32 $0x2C00, s0;
	s16 =	smul.u32 $0x30D40, s17;
	s25 =	sshll.u32 s17, $0x6  }
0xc: {  	s8 =	smul.u32 $0x18800, s7;
	_ =	strace $0x8000004D;
	s13 =	ssub.s32 $0x2, s7  }
0xd: {  	s7 =	smul.u32 $0x186A0, s7;
	s11 =	sshrl.u32 s9, $0x3;
	s23 =	sshrl.u32 s13, $0x1  }
0xe: {  	s15 =	sadd.s32 s9, s1;
	s20 =	sadd.s32 s9, s3;
	s26 =	sadd.s32 s9, s4  }
0xf: {  	s18 =	sadd.s32 s9, s5;
	s8 =	sadd.s32 s9, s8;
	s14 =	sadd.s32 s11, s0  }
0x10: {  	s13 =	ssub.s32 s13, s23;
	[dreg:$0x9] =	wrdreg s26;
	s11 =	sadd.s32 s2, s11  }
0x11: {  	[dreg:$0xa] =	wrdreg s18;
	s26 =	sshrl.u32 s20, $0x3;
	s2 =	simm.s32 $0x3  }
0x12: {  	s9 =	simm.s32 $0x4;
	s8 =	sshrl.u32 s8, $0x3;
	s24 =	sadd.s32 $0xC6400, s14  }
0x13: {  	s14 =	sadd.s32 $0xC9600, s14;
	s22 =	smax.u32 s13, $0x1;
	[dreg:$0xf] =	wrdreg s26  }
0x14: {  	s26 =	simm.s32 $0xED00;
	s0 =	sadd.s32 s8, s0;
	[dreg:$0x7] =	wrdreg s24  }
0x15: {  	s8 =	sor.u32 $0x1C05, s25;
	[dreg:$0x8] =	wrdreg s14;
	s14 =	sadd.s32 s7, s16  }
0x16: {  	[dreg:$0xd] =	wrdreg s22;
	s25 =	sshrl.u32 s15, $0x3;
	s7 =	simm.s32 $0x2  }
0x17: {  	s19 =	sadd.s32 $0xCC800, s0;
	s21 =	sadd.s32 $0x2710, s14;
	[dreg:$0xe] =	wrdreg s25  }
0x18: {  	s0 =	sadd.s32 $0xD2A00, s0;
	s24 =	sshrl.u32 s14, $0x3;
	[dreg:$0xb] =	wrdreg s19  }
0x19: {  	s25 =	simm.s32 $0x9E00;
	[dreg:$0xc] =	wrdreg s0;
	s23 =	sshrl.u32 s21, $0x3  }
0x1a: {  	s18 =	sadd.s32 s24, s12;
	s19 =	sadd.s32 s24, s10;
	s21 =	simm.s32 $0x5  }
0x1b: {  	s24 =	simm.s32 $0x2710;
	s0 =	simm.s32 $0x1;
	s16 =	sadd.s32 s23, s12  }
0x1c: {  	s17 =	sadd.s32 s23, s10;
	s23 =	simm.s32 $0x4F00;
	s10 =	simm.s32 $0x0  }
.LBB2_1:
0x1d: {  	s12 =	rddreg [dreg:$0x7]  }
0x1e: {  	s13 =	rddreg [dreg:$0xe]  }
0x1f: {  	[spmem:s13], [sflag:s8] =	dma.local [hbm:s12], $0x310  }
0x20: {  	_ =	swait.ge [sflag:s21], $0x310  }
0x21: {  	[sflag:s21] =	ssyncset.done $0x0;
	s13 =	rddreg [dreg:$0x8]  }
0x22: {  	s14 =	rddreg [dreg:$0xf];
	[sflag:s21] =	ssyncadd.s32 $0xFFFFFCF0  }
0x23: {  	[spmem:s14], [sflag:s8] =	dma.local [hbm:s13], $0x310  }
0x24: {  	_ =	swait.ge [sflag:s21], $0x310  }
0x25: {  	[sflag:s21] =	ssyncset.done $0x0;
	s15 =	rddreg [dreg:$0x9]  }
0x26: {  	[sflag:s21] =	ssyncadd.s32 $0xFFFFFCF0;
	s12 =	sshrl.u32 s15, $0x3  }
0x27: {  	[spmem:s12], [sflag:s8] =	dma.local [hbm:s11], $0x310  }
0x28: {  	_ =	swait.ge [sflag:s21], $0x310  }
0x29: {  	[sflag:s21] =	ssyncset.done $0x0;
	s20 =	rddreg [dreg:$0xa]  }
0x2a: {  	[sflag:s21] =	ssyncadd.s32 $0xFFFFFCF0;
	s13 =	sshrl.u32 s20, $0x3  }
0x2b: {  	[spmem:s13], [sflag:s8] =	dma.local [hbm:s11], $0x310  }
0x2c: {  	_ =	swait.ge [sflag:s21], $0x310  }
0x2d: {  	p0 =	por $0x1, $0x1;
	[sflag:s21] =	ssyncset.done $0x0  }
0x2e: {  	p0 =	por p0, p0;
	[sflag:s21] =	ssyncadd.s32 $0xFFFFFCF0  }
0x2f: {  	s14 =	simm.s32 @!p0 $0x1;
	[bflag:$0x0] =	sbarrier.arrive $0xFFFF  }
0x30: {  	_ =	swait.ge @!p0 [sflag:s14], $0x2710  }
0x31: {  	[sflag:s14] =	ssyncset.done @!p0 $0x0  }
0x32: {  	[sflag:s14] =	ssyncadd.s32 @!p0 $0xFFFFD8F0;
	s14 =	simm.s32 @!p0 $0x3  }
0x33: {  	_ =	swait.ge @!p0 [sflag:s14], $0x2710  }
0x34: {  	[sflag:s14] =	ssyncset.done @!p0 $0x0  }
0x35: {  	s22 =	sadd.s32 $0x0, s19;
	[sflag:s14] =	ssyncadd.s32 @!p0 $0xFFFFD8F0  }
0x36: {  	[tilespmem:s6], [sflag:$0x5] =	stream.linear.gather [hbm4b:s22+s6], $0x2710, $0x38;
	[tilespmem:$0x19E00] =	vst v63  }
0x37: {  	_ =	swait.ge [sflag:s21], $0x2710  }
0x38: {  	[sflag:s21] =	ssyncset.done $0x0  }
0x39: {  	s15 =	sadd.s32 $0x0, s18;
	[sflag:s21] =	ssyncadd.s32 $0xFFFFD8F0  }
0x3a: {  	[tilespmem:s23], [sflag:$0x5] =	stream.linear.gather [hbm4b:s15+s6], $0x2710, $0x38;
	[tilespmem:$0x19E00] =	vst v63  }
0x3b: {  	_ =	swait.ge [sflag:s21], $0x2710  }
0x3c: {  	[sflag:s21] =	ssyncset.done $0x0  }
0x3d: {  	[sflag:s21] =	ssyncadd.s32 $0xFFFFD8F0  }
0x3e: {  	[tilespmem:s25], [sflag:$0x5] =	stream.indirect.gather [spmem:s1], $0x1, s6, s24, $0xb8;
	[tilespmem:$0x19E00] =	vst v63  }
0x3f: {  	_ =	swait.ge [sflag:s21], $0x2710  }
0x40: {  	[sflag:s21] =	ssyncset.done $0x0  }
0x41: {  	[sflag:s21] =	ssyncadd.s32 $0xFFFFD8F0  }
0x42: {  	[tilespmem:s26], [sflag:$0x5] =	stream.indirect.gather [spmem:s3], $0x1, s6, s24, $0xb8;
	[tilespmem:$0x19E00] =	vst v63  }
0x43: {  	_ =	swait.ge [sflag:s21], $0x2710  }
0x44: {  	[sflag:s21] =	ssyncset.done $0x0  }
0x45: {  	[sflag:s21] =	ssyncadd.s32 $0xFFFFD8F0  }
0x46: {  	[spmem:s4] =	stream.indirect.scatter.add.f32 [tilespmem:s25], [sflag:$0x1], $0x1, s23, s24, $0xb8;
	[tilespmem:$0x19E00] =	vst v63  }
0x47: {  	s14 =	simm.s32 @!p0 $0x2  }
0x48: {  	[spmem:s5] =	stream.indirect.scatter.add.f32 [tilespmem:s26], [sflag:$0x3], $0x1, s23, s24, $0xb8;
	[tilespmem:$0x19E00] =	vst v63  }
0x49: {  	_ =	swait.ge @!p0 [sflag:s14], $0x2710  }
0x4a: {  	[sflag:s14] =	ssyncset.done @!p0 $0x0  }
0x4b: {  	[sflag:s14] =	ssyncadd.s32 @!p0 $0xFFFFD8F0;
	s14 =	simm.s32 @!p0 $0x4  }
0x4c: {  	_ =	swait.ge @!p0 [sflag:s14], $0x2710  }
0x4d: {  	[sflag:s14] =	ssyncset.done @!p0 $0x0  }
0x4e: {  	s20 =	sadd.s32 $0x0, s17;
	[sflag:s14] =	ssyncadd.s32 @!p0 $0xFFFFD8F0  }
0x4f: {  	[tilespmem:s28], [sflag:$0x5] =	stream.linear.gather [hbm4b:s20+s6], $0x2710, $0x38;
	[tilespmem:$0x19E00] =	vst v63  }
0x50: {  	_ =	swait.ge [sflag:s21], $0x2710  }
0x51: {  	[sflag:s21] =	ssyncset.done $0x0  }
0x52: {  	s22 =	sadd.s32 $0x0, s16;
	[sflag:s21] =	ssyncadd.s32 $0xFFFFD8F0  }
0x53: {  	[tilespmem:s29], [sflag:$0x5] =	stream.linear.gather [hbm4b:s22+s6], $0x2710, $0x38;
	[tilespmem:$0x19E00] =	vst v63  }
0x54: {  	_ =	swait.ge [sflag:s21], $0x2710  }
0x55: {  	[sflag:s21] =	ssyncset.done $0x0  }
0x56: {  	[sflag:s21] =	ssyncadd.s32 $0xFFFFD8F0  }
0x57: {  	[tilespmem:s30], [sflag:$0x5] =	stream.indirect.gather [spmem:s1], $0x1, s28, s24, $0xb8;
	[tilespmem:$0x19E00] =	vst v63  }
0x58: {  	_ =	swait.ge [sflag:s21], $0x2710  }
0x59: {  	[sflag:s21] =	ssyncset.done $0x0  }
0x5a: {  	[sflag:s21] =	ssyncadd.s32 $0xFFFFD8F0  }
0x5b: {  	[tilespmem:s31], [sflag:$0x5] =	stream.indirect.gather [spmem:s3], $0x1, s28, s24, $0xb8;
	[tilespmem:$0x19E00] =	vst v63  }
0x5c: {  	_ =	swait.ge [sflag:s21], $0x2710  }
0x5d: {  	p6 =	por $0x0, $0x0;
	s15 =	simm.s32 $0x1388;
	[sflag:s21] =	ssyncset.done $0x0  }
0x5e: {  	s14 =	simm.s32 $0x9C4;
	p0 =	por p6, p6;
	[sflag:s21] =	ssyncadd.s32 $0xFFFFD8F0  }
0x5f: {  	[spmem:s4] =	stream.indirect.scatter.add.f32 [tilespmem:s30], [sflag:$0x2], $0x1, s29, s24, $0xb8;
	[tilespmem:$0x19E00] =	vst v63  }
.LBB2_2:
0x60: {  	[spmem:s5] =	stream.indirect.scatter.add.f32 [tilespmem:s31], [sflag:$0x4], $0x1, s29, s24, $0xb8;
	[tilespmem:$0x19E00] =	vst v63  }
0x61: {  	s20 =	smov.u32 s15  }
0x62: {  	s15 =	sadd.s32 $0x9C4, s15;
	s22 =	simm.s32 @!p0 $0x1;
	p2 =	seq.s32 s20, $0x0  }
0x63: {  	p1 =	sne.s32 s15, $0x30D4;
	_ =	swait.ge @!p0 [sflag:s22], $0x2710  }
0x64: {  	[sflag:s22] =	ssyncset.done @!p0 $0x0  }
0x65: {  	[sflag:s22] =	ssyncadd.s32 @!p0 $0xFFFFD8F0;
	s22 =	simm.s32 @!p0 $0x3  }
0x66: {  	_ =	swait.ge @!p0 [sflag:s22], $0x2710  }
0x67: {  	[sflag:s22] =	ssyncset.done @!p0 $0x0  }
0x68: {  	[sflag:s22] =	ssyncadd.s32 @!p0 $0xFFFFD8F0;
	s22 =	sadd.s32 s14, s19  }
0x69: {  	[tilespmem:s6], [sflag:$0x5] =	stream.linear.gather [hbm4b:s22+s6], $0x2710, $0x38;
	[tilespmem:$0x19E00] =	vst v63  }
0x6a: {  	_ =	swait.ge [sflag:s21], $0x2710  }
0x6b: {  	[sflag:s21] =	ssyncset.done $0x0  }
0x6c: {  	s22 =	sadd.s32 s14, s18;
	[sflag:s21] =	ssyncadd.s32 $0xFFFFD8F0  }
0x6d: {  	[tilespmem:s23], [sflag:$0x5] =	stream.linear.gather [hbm4b:s22+s6], $0x2710, $0x38;
	[tilespmem:$0x19E00] =	vst v63  }
0x6e: {  	_ =	swait.ge [sflag:s21], $0x2710  }
0x6f: {  	[sflag:s21] =	ssyncset.done $0x0  }
0x70: {  	[sflag:s21] =	ssyncadd.s32 $0xFFFFD8F0  }
0x71: {  	[tilespmem:s25], [sflag:$0x5] =	stream.indirect.gather [spmem:s1], $0x1, s6, s24, $0xb8;
	[tilespmem:$0x19E00] =	vst v63  }
0x72: {  	_ =	swait.ge [sflag:s21], $0x2710  }
0x73: {  	[sflag:s21] =	ssyncset.done $0x0  }
0x74: {  	[sflag:s21] =	ssyncadd.s32 $0xFFFFD8F0  }
0x75: {  	[tilespmem:s26], [sflag:$0x5] =	stream.indirect.gather [spmem:s3], $0x1, s6, s24, $0xb8;
	[tilespmem:$0x19E00] =	vst v63  }
0x76: {  	_ =	swait.ge [sflag:s21], $0x2710  }
0x77: {  	[sflag:s21] =	ssyncset.done $0x0  }
0x78: {  	[sflag:s21] =	ssyncadd.s32 $0xFFFFD8F0  }
0x79: {  	[spmem:s4] =	stream.indirect.scatter.add.f32 [tilespmem:s25], [sflag:$0x1], $0x1, s23, s24, $0xb8;
	[tilespmem:$0x19E00] =	vst v63  }
0x7a: {  	s22 =	simm.s32 @!p0 $0x2  }
0x7b: {  	[spmem:s5] =	stream.indirect.scatter.add.f32 [tilespmem:s26], [sflag:$0x3], $0x1, s23, s24, $0xb8;
	[tilespmem:$0x19E00] =	vst v63  }
0x7c: {  	_ =	swait.ge @!p0 [sflag:s22], $0x2710  }
0x7d: {  	[sflag:s22] =	ssyncset.done @!p0 $0x0  }
0x7e: {  	[sflag:s22] =	ssyncadd.s32 @!p0 $0xFFFFD8F0;
	s22 =	simm.s32 @!p0 $0x4  }
0x7f: {  	_ =	swait.ge @!p0 [sflag:s22], $0x2710  }
0x80: {  	[sflag:s22] =	ssyncset.done @!p0 $0x0  }
0x81: {  	[sflag:s22] =	ssyncadd.s32 @!p0 $0xFFFFD8F0;
	s22 =	sadd.s32 s14, s17;
	p0 =	por p2, p2  }
0x82: {  	[tilespmem:s28], [sflag:$0x5] =	stream.linear.gather [hbm4b:s22+s6], $0x2710, $0x38;
	[tilespmem:$0x19E00] =	vst v63  }
0x83: {  	_ =	swait.ge [sflag:s21], $0x2710  }
0x84: {  	[sflag:s21] =	ssyncset.done $0x0  }
0x85: {  	s22 =	sadd.s32 s14, s16;
	s14 =	smov.u32 s20;
	[sflag:s21] =	ssyncadd.s32 $0xFFFFD8F0  }
0x86: {  	[tilespmem:s29], [sflag:$0x5] =	stream.linear.gather [hbm4b:s22+s6], $0x2710, $0x38;
	[tilespmem:$0x19E00] =	vst v63  }
0x87: {  	_ =	swait.ge [sflag:s21], $0x2710  }
0x88: {  	[sflag:s21] =	ssyncset.done $0x0  }
0x89: {  	[sflag:s21] =	ssyncadd.s32 $0xFFFFD8F0  }
0x8a: {  	[tilespmem:s30], [sflag:$0x5] =	stream.indirect.gather [spmem:s1], $0x1, s28, s24, $0xb8;
	[tilespmem:$0x19E00] =	vst v63  }
0x8b: {  	_ =	swait.ge [sflag:s21], $0x2710  }
0x8c: {  	[sflag:s21] =	ssyncset.done $0x0  }
0x8d: {  	[sflag:s21] =	ssyncadd.s32 $0xFFFFD8F0  }
0x8e: {  	[tilespmem:s31], [sflag:$0x5] =	stream.indirect.gather [spmem:s3], $0x1, s28, s24, $0xb8;
	[tilespmem:$0x19E00] =	vst v63  }
.Ltmp0:
0x8f: {  	_ = 	snop;
	(pc) =	sbr.rel @p1 .LBB2_2-.Ltmp0, $4  }
0x90: {  	_ =	swait.ge [sflag:s21], $0x2710  }
0x91: {  	[sflag:s21] =	ssyncset.done $0x0  }
0x92: {  	[sflag:s21] =	ssyncadd.s32 $0xFFFFD8F0  }
0x93: {  	[spmem:s4] =	stream.indirect.scatter.add.f32 [tilespmem:s30], [sflag:$0x2], $0x1, s29, s24, $0xb8;
	[tilespmem:$0x19E00] =	vst v63  }
0x94: {  	[spmem:s5] =	stream.indirect.scatter.add.f32 [tilespmem:s31], [sflag:$0x4], $0x1, s29, s24, $0xb8;
	[tilespmem:$0x19E00] =	vst v63  }
0x95: {  	s15 =	simm.s32 @!p0 $0x1  }
0x96: {  	_ =	swait.ge @!p0 [sflag:s15], $0x2710  }
0x97: {  	[sflag:s15] =	ssyncset.done @!p0 $0x0  }
0x98: {  	[sflag:s15] =	ssyncadd.s32 @!p0 $0xFFFFD8F0;
	s15 =	simm.s32 @!p0 $0x3  }
0x99: {  	_ =	swait.ge @!p0 [sflag:s15], $0x2710  }
0x9a: {  	[sflag:s15] =	ssyncset.done @!p0 $0x0  }
0x9b: {  	s20 =	sadd.s32 s14, s19;
	[sflag:s15] =	ssyncadd.s32 @!p0 $0xFFFFD8F0  }
0x9c: {  	[tilespmem:s6], [sflag:$0x5] =	stream.linear.gather [hbm4b:s20+s6], $0x2710, $0x38;
	[tilespmem:$0x19E00] =	vst v63  }
0x9d: {  	_ =	swait.ge [sflag:s21], $0x2710  }
0x9e: {  	[sflag:s21] =	ssyncset.done $0x0  }
0x9f: {  	s22 =	sadd.s32 s14, s18;
	[sflag:s21] =	ssyncadd.s32 $0xFFFFD8F0  }
0xa0: {  	[tilespmem:s23], [sflag:$0x5] =	stream.linear.gather [hbm4b:s22+s6], $0x2710, $0x38;
	[tilespmem:$0x19E00] =	vst v63  }
0xa1: {  	_ =	swait.ge [sflag:s21], $0x2710  }
0xa2: {  	[sflag:s21] =	ssyncset.done $0x0  }
0xa3: {  	[sflag:s21] =	ssyncadd.s32 $0xFFFFD8F0  }
0xa4: {  	[tilespmem:s25], [sflag:$0x5] =	stream.indirect.gather [spmem:s1], $0x1, s6, s24, $0xb8;
	[tilespmem:$0x19E00] =	vst v63  }
0xa5: {  	_ =	swait.ge [sflag:s21], $0x2710  }
0xa6: {  	[sflag:s21] =	ssyncset.done $0x0  }
0xa7: {  	[sflag:s21] =	ssyncadd.s32 $0xFFFFD8F0  }
0xa8: {  	[tilespmem:s26], [sflag:$0x5] =	stream.indirect.gather [spmem:s3], $0x1, s6, s24, $0xb8;
	[tilespmem:$0x19E00] =	vst v63  }
0xa9: {  	_ =	swait.ge [sflag:s21], $0x2710  }
0xaa: {  	[sflag:s21] =	ssyncset.done $0x0  }
0xab: {  	[sflag:s21] =	ssyncadd.s32 $0xFFFFD8F0  }
0xac: {  	[spmem:s4] =	stream.indirect.scatter.add.f32 [tilespmem:s25], [sflag:$0x1], $0x1, s23, s24, $0xb8;
	[tilespmem:$0x19E00] =	vst v63  }
0xad: {  	s15 =	simm.s32 @!p0 $0x2  }
0xae: {  	[spmem:s5] =	stream.indirect.scatter.add.f32 [tilespmem:s26], [sflag:$0x3], $0x1, s23, s24, $0xb8;
	[tilespmem:$0x19E00] =	vst v63  }
0xaf: {  	_ =	swait.ge @!p0 [sflag:s15], $0x2710  }
0xb0: {  	[sflag:s15] =	ssyncset.done @!p0 $0x0  }
0xb1: {  	[sflag:s15] =	ssyncadd.s32 @!p0 $0xFFFFD8F0;
	s15 =	simm.s32 @!p0 $0x4  }
0xb2: {  	_ =	swait.ge @!p0 [sflag:s15], $0x2710  }
0xb3: {  	[sflag:s15] =	ssyncset.done @!p0 $0x0  }
0xb4: {  	s20 =	sadd.s32 s14, s17;
	[sflag:s15] =	ssyncadd.s32 @!p0 $0xFFFFD8F0  }
0xb5: {  	[tilespmem:s28], [sflag:$0x5] =	stream.linear.gather [hbm4b:s20+s6], $0x2710, $0x38;
	[tilespmem:$0x19E00] =	vst v63  }
0xb6: {  	_ =	swait.ge [sflag:s21], $0x2710  }
0xb7: {  	[sflag:s21] =	ssyncset.done $0x0  }
0xb8: {  	s22 =	sadd.s32 s14, s16;
	[sflag:s21] =	ssyncadd.s32 $0xFFFFD8F0  }
0xb9: {  	[tilespmem:s29], [sflag:$0x5] =	stream.linear.gather [hbm4b:s22+s6], $0x2710, $0x38;
	[tilespmem:$0x19E00] =	vst v63  }
0xba: {  	_ =	swait.ge [sflag:s21], $0x2710  }
0xbb: {  	[sflag:s21] =	ssyncset.done $0x0  }
0xbc: {  	[sflag:s21] =	ssyncadd.s32 $0xFFFFD8F0  }
0xbd: {  	[tilespmem:s30], [sflag:$0x5] =	stream.indirect.gather [spmem:s1], $0x1, s28, s24, $0xb8;
	[tilespmem:$0x19E00] =	vst v63  }
0xbe: {  	_ =	swait.ge [sflag:s21], $0x2710  }
0xbf: {  	[sflag:s21] =	ssyncset.done $0x0  }
0xc0: {  	[sflag:s21] =	ssyncadd.s32 $0xFFFFD8F0  }
0xc1: {  	[tilespmem:s31], [sflag:$0x5] =	stream.indirect.gather [spmem:s3], $0x1, s28, s24, $0xb8;
	[tilespmem:$0x19E00] =	vst v63  }
0xc2: {  	_ =	swait.ge [sflag:s21], $0x2710  }
0xc3: {  	[sflag:s21] =	ssyncset.done $0x0  }
0xc4: {  	[sflag:s21] =	ssyncadd.s32 $0xFFFFD8F0  }
0xc5: {  	[spmem:s4] =	stream.indirect.scatter.add.f32 [tilespmem:s30], [sflag:$0x2], $0x1, s29, s24, $0xb8;
	[tilespmem:$0x19E00] =	vst v63  }
0xc6: {  	_ = 	snop  }
0xc7: {  	[spmem:s5] =	stream.indirect.scatter.add.f32 [tilespmem:s31], [sflag:$0x4], $0x1, s29, s24, $0xb8;
	[tilespmem:$0x19E00] =	vst v63  }
0xc8: {  	_ =	swait.ge [sflag:s0], $0x2710  }
0xc9: {  	[sflag:s0] =	ssyncset.done $0x0  }
0xca: {  	[sflag:s0] =	ssyncadd.s32 $0xFFFFD8F0  }
0xcb: {  	_ =	swait.ge [sflag:s2], $0x2710  }
0xcc: {  	[sflag:s2] =	ssyncset.done $0x0  }
0xcd: {  	[sflag:s2] =	ssyncadd.s32 $0xFFFFD8F0  }
0xce: {  	_ =	swait.ge [sflag:s7], $0x2710  }
0xcf: {  	[sflag:s7] =	ssyncset.done $0x0  }
0xd0: {  	[sflag:s7] =	ssyncadd.s32 $0xFFFFD8F0  }
0xd1: {  	_ =	swait.ge [sflag:s9], $0x2710  }
0xd2: {  	[sflag:s9] =	ssyncset.done $0x0  }
0xd3: {  	[sflag:s9] =	ssyncadd.s32 $0xFFFFD8F0  }
0xd4: {  	[bflag:$0x0] =	sbarrier.arrive $0xFFFF  }
0xd5: {  	s15 =	rddreg [dreg:$0xb]  }
0xd6: {  	[hbm:s15], [sflag:s8] =	dma.local [spmem:s12], $0x310  }
0xd7: {  	_ =	swait.ge [sflag:s21], $0x310  }
0xd8: {  	[sflag:s21] =	ssyncset.done $0x0  }
0xd9: {  	s20 =	rddreg [dreg:$0xc];
	[sflag:s21] =	ssyncadd.s32 $0xFFFFFCF0  }
0xda: {  	[hbm:s20], [sflag:s8] =	dma.local [spmem:s13], $0x310  }
0xdb: {  	_ =	swait.ge [sflag:s21], $0x310  }
0xdc: {  	s10 =	sadd.s32 $0x1, s10;
	s22 =	rddreg [dreg:$0xd]  }
0xdd: {  	p0 =	sne.s32 s10, s22  }
.Ltmp1:
0xde: {  	_ = 	snop;
	(pc) =	sbr.rel @p0 .LBB2_1-.Ltmp1, $3  }
0xdf: {  	_ =	sdelay $0x1  }
0xe0: {  	[sflag:s21] =	ssyncset.done $0x0  }
0xe1: {  	[sflag:s21] =	ssyncadd.s32 $0xFFFFFCF0  }
0xe2: {  	_ =	sfence.sel $0x180000  }
0xe3: {  	[bflag:$0x0] =	sbarrier.arrive $0xFFFF  }
0xe4: {  	_ =	strace $0x9000004D  }
0xe5: {  	s0 =	stileid.u32;
	[bflag:$0x2] =	sbarrier.arrive $0xFFFF  }
0xe6: {  	p0 =	sne.s32 s0, $0x0;
	s0 =	rddreg [dreg:$0x6]  }
0xe7: {  	s0 =	sadd.s32 @!p0 $0x100000, s0  }
0xe8: {  	[sflag:s0] =	ssyncadd.tile.s32 @!p0 $0x1;
	_ =	shalt  }
.Lfunc_end2:
_tile_overlayer_lowered:
.L_overlay_start_2:
0xe9: {  	(tag) =	ssettag $0x2  }
0xea: {  	s0 =	rddreg [dreg:$0x0];
	s2 =	stileid.u32  }
0xeb: {  	s1 =	rddreg [dreg:$0x1];
	p0 =	sne.s32 s2, $0x0  }
0xec: {  	s3 =	rddreg [dreg:$0x2];
	[bflag:$0x3] =	sbarrier.arrive $0xFFFF;
	s2 =	simm.s32 @!p0 $0x1C05  }
0xed: {  	[timem:s3], [sflag:s2] =	dma.local @!p0 [hbm:s0], s1  }
0xee: {  	s0 =	simm.s32 @!p0 $0x5  }
0xef: {  	_ =	swait.ge @!p0 [sflag:s0], s1  }
0xf0: {  	s1 =	ssub.s32 @!p0 $0x0, s1;
	[sflag:s0] =	ssyncset.done @!p0 $0x0  }
0xf1: {  	[sflag:s0] =	ssyncadd.s32 @!p0 s1  }
0xf2: {  	[bflag:$0x3] =	sbarrier.arrive $0xFFFF  }
0xf3: {  	_ =	shalt  }

// kernel: kernel.8.cloned.1.call-start
scs
__scs_entry_jumppad:
0x0: {  	(pc) =	sbr.rel $0x88, $3  }
0x1: {  	(tag) =	ssettag $0x0;
	lr =	simm.s32 $0x1  }
0x2: {  	[smem:$0x3F9B] =	sst lr;
	_ =	strace $0xD0000000  }
0x3: {  	_ = 	snop  }
0x4: {  	_ = 	snop  }
0x5: {  	_ = 	snop  }
0x6: {  	_ = 	snop  }
0x7: {  	_ = 	snop  }
__scs_overlays_trampoline_lowered:
0x8: {  	[smem:$0x3FAA] =	sst s0  }
0x9: {  	[smem:$0x3FAB] =	sst s1  }
0xa: {  	[smem:$0x3FAC] =	sst s2  }
0xb: {  	[smem:$0x3FAD] =	sst s3  }
0xc: {  	[smem:$0x3FAE] =	sst s4  }
0xd: {  	[smem:$0x3FAF] =	sst s5  }
0xe: {  	[smem:$0x3FB0] =	sst s6  }
0xf: {  	[smem:$0x3FB1] =	sst s7  }
0x10: {  	[smem:$0x3FB2] =	sst s8  }
0x11: {  	[smem:$0x3FB3] =	sst s9;
	s0 =	simm.s32 @!p0 $0x0  }
0x12: {  	s1 =	sld [smem:$0x3F99];
	s0 =	simm.s32 @p0 $0x1  }
0x13: {  	[smem:$0x3FB4] =	sst s0;
	s0 =	simm.s32 @!p1 $0x0  }
0x14: {  	s2 =	sld [smem:$0x3F98];
	s0 =	simm.s32 @p1 $0x1  }
0x15: {  	[smem:$0x3FB5] =	sst s0;
	s0 =	simm.s32 @!p2 $0x0  }
0x16: {  	s3 =	sld [smem:$0x3FDB];
	s0 =	simm.s32 @p2 $0x1  }
0x17: {  	s4 =	simm.s32 $0x1BF5;
	[smem:$0x3FB7] =	sst s0  }
0x18: {  	s0 =	sld [smem:$0x3F9A];
	_ =	swait.ge [sflag:s4], $0x0  }
0x19: {  	s7 =	sld [smem:$0x3F9B]  }
0x1a: {  	s8 =	sadd.s32 $0xFFFFE003, lr  }
0x1b: {  	s9 =	sadd.s32 $0xFFFFFEF7, lr;
	s5 =	simm.s32 $0xFFFFFFFF;
	p2 =	slt.u32 s8, $0xFFFFF086  }
0x1c: {  	p1 =	slt.u32 s9, $0xF7A;
	s5 =	simm.s32 @!p2 $0x0  }
0x1d: {  	s5 =	simm.s32 @p1 $0x1;
	p0 =	seq.s32 s7, s2  }
0x1e: {  	s7 =	smul.u32 @!p0 $0xF7A, s2;
	p2 =	seq.s32 @!p0 s5, $0x0  }
0x1f: {  	s9 =	smul.u32 $0xF7A, s1;
	s8 =	simm.s32 @!p0 $0x1BF5;
	p2 =	por !p2, p0  }
0x20: {  	[sflag:s8] =	ssyncset.s32 @!p0 $0xFFFFF086;
	s6 =	sadd.s32 @!p0 s3, s7;
	s7 =	simm.s32 @!p0 $0x108  }
0x21: {  	s3 =	sadd.s32 s3, s9;
	s6 =	sadd.s32 @!p0 $0x88, s6;
	s7 =	simm.s32 @p2 $0x1082  }
0x22: {  	[simem:s7], [sflag:s8] =	dma.local @!p0 [hbm:s6], $0xF7A  }
0x23: {  	s9 =	sor.u32 $0xD0000000, s2;
	s6 =	simm.s32 $0x108;
	_ =	swait.ge @!p0 [sflag:s8], $0x0  }
0x24: {  	s3 =	sadd.s32 $0x88, s3;
	s6 =	simm.s32 @!p1 $0x1082;
	[sflag:s4] =	ssyncset.s32 $0xFFFFF086  }
0x25: {  	[simem:s6], [sflag:s4] =	dma.local [hbm:s3], $0xF7A  }
0x26: {  	[smem:$0x3F9B] =	sst s1;
	(tag) =	ssettag s2;
	_ =	strace s9  }
0x27: {  	s1 =	sld [smem:$0x3FAB]  }
0x28: {  	s2 =	sld [smem:$0x3FAC]  }
0x29: {  	s4 =	sld [smem:$0x3FAE]  }
0x2a: {  	p0 =	seq.s32 s5, $0x0;
	s5 =	sld [smem:$0x3FAF]  }
0x2b: {  	s6 =	sld [smem:$0x3FB0]  }
0x2c: {  	s7 =	sld [smem:$0x3FB1]  }
0x2d: {  	s3 =	simm.s32 $0x108;
	s8 =	sld [smem:$0x3FB2]  }
0x2e: {  	s3 =	simm.s32 @!p0 $0x1082;
	s9 =	sld [smem:$0x3FB3]  }
0x2f: {  	lr =	sadd.s32 s0, s3;
	s0 =	sld [smem:$0x3FAA]  }
0x30: {  	s3 =	sld [smem:$0x3FAD]  }
0x31: {  	[smem:$0x3FB6] =	sst s10  }
0x32: {  	s10 =	sld [smem:$0x3FB4];
	_ =	sdelay $0x3  }
0x33: {  	p0 =	seq.s32 s10, $0x1;
	s10 =	sld [smem:$0x3FB6];
	_ =	sdelay $0x3  }
0x34: {  	[smem:$0x3FB6] =	sst s10  }
0x35: {  	s10 =	sld [smem:$0x3FB5];
	_ =	sdelay $0x3  }
0x36: {  	p1 =	seq.s32 s10, $0x1;
	s10 =	sld [smem:$0x3FB6];
	_ =	sdelay $0x3  }
0x37: {  	[smem:$0x3FB6] =	sst s10  }
0x38: {  	s10 =	sld [smem:$0x3FB7]  }
0x39: {  	_ = 	snop;
	(pc) =	sbr.ind lr, $3  }
0x3a: {  	_ = 	snop  }
0x3b: {  	_ = 	snop  }
0x3c: {  	p2 =	seq.s32 s10, $0x1;
	s10 =	sld [smem:$0x3FB6]  }
0x3d: {  	_ =	shalt  }
0x3e: {  	_ =	shalt  }
0x3f: {  	_ =	shalt  }
0x40: {  	_ =	shalt  }
0x41: {  	_ =	shalt  }
0x42: {  	_ =	shalt  }
0x43: {  	_ =	shalt  }
0x44: {  	_ =	shalt  }
0x45: {  	_ =	shalt  }
0x46: {  	_ =	shalt  }
0x47: {  	_ =	shalt  }
0x48: {  	_ =	shalt  }
0x49: {  	_ =	shalt  }
0x4a: {  	_ =	shalt  }
0x4b: {  	_ =	shalt  }
0x4c: {  	_ =	shalt  }
0x4d: {  	_ =	shalt  }
0x4e: {  	_ =	shalt  }
0x4f: {  	_ =	shalt  }
0x50: {  	_ =	shalt  }
0x51: {  	_ =	shalt  }
0x52: {  	_ =	shalt  }
0x53: {  	_ =	shalt  }
0x54: {  	_ =	shalt  }
0x55: {  	_ =	shalt  }
0x56: {  	_ =	shalt  }
0x57: {  	_ =	shalt  }
0x58: {  	_ =	shalt  }
0x59: {  	_ =	shalt  }
0x5a: {  	_ =	shalt  }
0x5b: {  	_ =	shalt  }
0x5c: {  	_ =	shalt  }
0x5d: {  	_ =	shalt  }
0x5e: {  	_ =	shalt  }
0x5f: {  	_ =	shalt  }
0x60: {  	_ =	shalt  }
0x61: {  	_ =	shalt  }
0x62: {  	_ =	shalt  }
0x63: {  	_ =	shalt  }
0x64: {  	_ =	shalt  }
0x65: {  	_ =	shalt  }
0x66: {  	_ =	shalt  }
0x67: {  	_ =	shalt  }
0x68: {  	_ =	shalt  }
0x69: {  	_ =	shalt  }
0x6a: {  	_ =	shalt  }
0x6b: {  	_ =	shalt  }
0x6c: {  	_ =	shalt  }
0x6d: {  	_ =	shalt  }
0x6e: {  	_ =	shalt  }
0x6f: {  	_ =	shalt  }
0x70: {  	_ =	shalt  }
0x71: {  	_ =	shalt  }
0x72: {  	_ =	shalt  }
0x73: {  	_ =	shalt  }
0x74: {  	_ =	shalt  }
0x75: {  	_ =	shalt  }
0x76: {  	_ =	shalt  }
0x77: {  	_ =	shalt  }
0x78: {  	_ =	shalt  }
0x79: {  	_ =	shalt  }
0x7a: {  	_ =	shalt  }
0x7b: {  	_ =	shalt  }
0x7c: {  	_ =	shalt  }
0x7d: {  	_ =	shalt  }
0x7e: {  	_ =	shalt  }
0x7f: {  	_ =	shalt  }
0x80: {  	_ =	shalt  }
0x81: {  	_ =	shalt  }
0x82: {  	_ =	shalt  }
0x83: {  	_ =	shalt  }
0x84: {  	_ =	shalt  }
0x85: {  	_ =	shalt  }
0x86: {  	_ =	shalt  }
0x87: {  	_ =	shalt  }
.Lfunc_end0:
.L_simem_size_0:
called_computation_lowered:
.L_overlay_start_0:
0x88: {  	s2 =	sld [smem:$0x3FD9]  }
0x89: {  	s3 =	sld [smem:$0x3FFE];
	_ =	sdelay $0x1  }
0x8a: {  	s1 =	srdreg.scid  }
0x8b: {  	s0 =	sand.u32 $0x1, s1  }
0x8c: {  	s17 =	sshll.u32 s0, $0xA;
	s2 =	sadd.s32 s3, s2  }
0x8d: {  	s2 =	sadd.s32 s2, s17  }
0x8e: {  	[smem:$0x3FC2] =	sst s2  }
0x8f: {  	_ = 	snop  }
0x90: {  	s2 =	sld [smem:$0x3FD0];
	(tm) =	ssettm $0x1  }
0x91: {  	s18 =	sld [smem:$0x3FFB];
	_ =	sdelay $0x3  }
0x92: {  	_ =	strace s18  }
0x93: {  	s3 =	sld [smem:$0x3FFC];
	_ =	sdelay $0x3  }
0x94: {  	_ =	strace s3  }
0x95: {  	s3 =	sld [smem:$0x3FFD];
	_ =	sdelay $0x3  }
0x96: {  	_ =	strace s3  }
0x97: {  	_ =	strace $0x8FFFFFFF  }
0x98: {  	s19 =	sld [smem:$0x3FDB];
	_ =	sdelay $0x1  }
0x99: {  	s4 =	simm.s32 $_scs_section_size  }
0x9a: {  	s5 =	simm.s32 $_size__tile_overlayer_lowered;
	s6 =	simm.s32 $_tile_overlayer_lowered  }
0x9b: {  	s22 =	simm.s32 $0x1BFF;
	s21 =	sshll.u32 s6, $0x1;
	s3 =	sadd.s32 s4, s19  }
0x9c: {  	s7 =	simm.s32 $0x0;
	s20 =	sshll.u32 s5, $0x1;
	s5 =	sadd.s32 s21, s3  }
0x9d: {  	[timem:s7], [sflag:s22] =	dma.local [hbm:s5], s20  }
0x9e: {  	_ =	swait.ge [sflag:s22], s20  }
0x9f: {  	s4 =	ssub.s32 $0x0, s20;
	[sflag:s22] =	ssyncset.done $0x0  }
0xa0: {  	[sflag:s22] =	ssyncadd.s32 s4;
	_ =	sdelay $0x1  }
0xa1: {  	s23 =	simm.s32 $0x1B8B  }
0xa2: {  	_ =	swait.ge [sflag:s23], $0x1  }
0xa3: {  	[sflag:s23] =	ssyncset.done $0x0  }
0xa4: {  	s25 =	simm.s32 $0x1B8E;
	s24 =	sld [smem:$0x3FFE];
	[sflag:s23] =	ssyncadd.s32 $0xFFFFFFFF  }
0xa5: {  	s26 =	simm.s32 $execute0_lowered;
	[smem:$0x3FD2] =	sst s25  }
0xa6: {  	s5 =	sshll.u32 s26, $0x1;
	_ =	strace $0x80000046;
	[dreg:$0x1] =	wrdreg $0xFFFFFFFF  }
0xa7: {  	s28 =	simm.s32 $_size_execute0_lowered;
	s3 =	sadd.s32 s3, s5;
	[dreg:$0x0] =	wrdreg $0x0  }
0xa8: {  	s5 =	sshll.u32 s28, $0x1;
	[dreg:$0x2] =	wrdreg s3  }
0xa9: {  	[dreg:$0x3] =	wrdreg s5  }
0xaa: {  	[dreg:$0x4] =	wrdreg $0xC0  }
0xab: {  	_ =	task [dreg:s7], $0x5FFFF  }
0xac: {  	[dreg:$0x1] =	wrdreg $0xFFFFFFFF  }
0xad: {  	[dreg:$0x0] =	wrdreg $0x60  }
0xae: {  	[dreg:$0x2] =	wrdreg s24  }
0xaf: {  	[dreg:$0x3] =	wrdreg s2  }
0xb0: {  	[dreg:$0x4] =	wrdreg $0x76800  }
0xb1: {  	[dreg:$0x5] =	wrdreg $0x9  }
0xb2: {  	_ =	task.clear_ibuf [dreg:s7], $0x6FFFF;
	_ =	strace $0x90000046  }
0xb3: {  	s29 =	simm.s32 $0x9;
	_ =	strace $0x80000048  }
0xb4: {  	_ =	swait.ge [sflag:s29], $0x1  }
0xb5: {  	[sflag:s29] =	ssyncadd.s32 $0xFFFFFFFF  }
0xb6: {  	_ =	strace $0x90000048  }
0xb7: {  	_ =	sfence  }
0xb8: {  	s30 =	sld [smem:$0x0];
	_ =	sdelay $0x2  }
0xb9: {  	s31 =	sshll.u32 s1, $0xD;
	s1 =	sshrl.u32 s1, $0x2  }
0xba: {  	s3 =	sand.u32 $0x4000, s31;
	s1 =	sadd.s32 s1, s30  }
0xbb: {  	s0 =	sor.u32 s3, s0;
	s1 =	sshll.u32 s1, $0x11  }
0xbc: {  	s0 =	sor.u32 s1, s0  }
0xbd: {  	s0 =	sadd.s32 $0x8F2B, s0  }
0xbe: {  	[sflag:s0] =	ssyncadd.remote.s32 $0x1  }
0xbf: {  	_ =	sfence.sel $0xFFFF  }
0xc0: {  	[dreg:$0x0] =	wrdreg $0xFFFFFFFF;
	(pc) =	sbr.abs _section_cstart, $3  }
0xc1: {  	[dreg:$0x1] =	wrdreg $0xFFFFFFFF  }
0xc2: {  	_ =	task.clear_ibuf [dreg:s7], $0x2FFFF;
	_ =	strace $0x9FFFFFFF  }
0xc3: {  	(tm) =	ssettm $0x7FFFFFFF  }
tec
execute0_lowered:
.L_overlay_start_1:
0x0: {  	(tag) =	ssettag $0x1  }
0x1: {  	s24 =	rddreg [dreg:$0x0]  }
0x2: {  	s7 =	rddreg [dreg:$0x1]  }
0x3: {  	s2 =	rddreg [dreg:$0x2]  }
0x4: {  	s0 =	rddreg [dreg:$0x3];
	s4 =	srdreg.scid  }
0x5: {  	s1 =	stileid.u32;
	s3 =	simm.s32 $0x0;
	s6 =	simm.s32 $0x4F00  }
0x6: {  	s5 =	simm.s32 $0x3;
	s25 =	sand.u32 $0x1, s4;
	s29 =	sshll.u32 s1, $0x1  }
0x7: {  	[smem:$0x7FF] =	sst s3;
	s26 =	smul.u32 $0x1880, s1;
	s4 =	sor.u32 s25, s29  }
0x8: {  	_ =	strace $0x80000047;
	s10 =	smul.u32 $0x186A0, s4;
	s4 =	sadd.s32 $0xC6400, s24  }
0x9: {  	[tilespmem:s6], [sflag:$0x3] =	stream.linear.gather [hbm4b:s4+s3], $0x2780, $0x38;
	[tilespmem:$0x8F00] =	vst v63  }
0xa: {  	s30 =	sshll.u32 s1, $0x6;
	s8 =	sshrl.u32 s26, $0x3;
	_ =	swait.ge [sflag:s5], $0x2780  }
0xb: {  	s9 =	sadd.s32 s26, s2;
	s7 =	sadd.s32 s7, s8;
	[sflag:s5] =	ssyncset.done $0x0  }
0xc: {  	s8 =	sor.u32 $0x1C03, s30;
	s9 =	sshrl.u32 s9, $0x3;
	[sflag:s5] =	ssyncadd.s32 $0xFFFFD880  }
0xd: {  	[spmem:s9], [sflag:s8] =	dma.local [hbm:s7], $0x310  }
0xe: {  	_ =	swait.ge [sflag:s5], $0x310  }
0xf: {  	s10 =	sshrl.u32 s10, $0x3;
	[sflag:s5] =	ssyncset.done $0x0  }
0x10: {  	s23 =	sadd.s32 s10, s24;
	[sflag:s5] =	ssyncadd.s32 $0xFFFFFCF0  }
0x11: {  	s10 =	sadd.s32 $0x2C00, s23;
	[bflag:$0x0] =	sbarrier.arrive $0xFFFF  }
0x12: {  	[tilespmem:s3], [sflag:$0x3] =	stream.linear.gather [hbm4b:s10+s3], $0x2710, $0x38;
	[tilespmem:$0x8F00] =	vst v63  }
0x13: {  	_ =	swait.ge [sflag:s5], $0x2710  }
0x14: {  	[sflag:s5] =	ssyncset.done $0x0  }
0x15: {  	s11 =	simm.s32 $0x2710;
	[sflag:s5] =	ssyncadd.s32 $0xFFFFD8F0  }
0x16: {  	[spmem:s2] =	stream.indirect.scatter.add.f32 [tilespmem:s6], [sflag:$0x1], $0x1, s3, s11, $0xb8;
	[tilespmem:$0x8F00] =	vst v63  }
0x17: {  	s13 =	simm.s32 $0x2780;
	s12 =	sadd.s32 $0x30E2, s23  }
0x18: {  	[tilespmem:s13], [sflag:$0x3] =	stream.linear.gather [hbm4b:s12+s3], $0x2710, $0x38;
	[tilespmem:$0x8F00] =	vst v63  }
0x19: {  	_ =	swait.ge [sflag:s5], $0x2710  }
0x1a: {  	[sflag:s5] =	ssyncset.done $0x0  }
0x1b: {  	s14 =	simm.s32 $0x1;
	[sflag:s5] =	ssyncadd.s32 $0xFFFFD8F0  }
0x1c: {  	[spmem:s2] =	stream.indirect.scatter.add.f32 [tilespmem:s6], [sflag:$0x2], $0x1, s13, s11, $0xb8;
	[tilespmem:$0x8F00] =	vst v63  }
0x1d: {  	_ =	swait.ge [sflag:s14], $0x2710  }
0x1e: {  	[sflag:s14] =	ssyncset.done $0x0  }
0x1f: {  	s15 =	sadd.s32 $0x35C4, s23;
	[sflag:s14] =	ssyncadd.s32 $0xFFFFD8F0  }
0x20: {  	[tilespmem:s3], [sflag:$0x3] =	stream.linear.gather [hbm4b:s15+s3], $0x2710, $0x38;
	[tilespmem:$0x8F00] =	vst v63  }
0x21: {  	_ =	swait.ge [sflag:s5], $0x2710  }
0x22: {  	[sflag:s5] =	ssyncset.done $0x0  }
0x23: {  	s16 =	simm.s32 $0x2;
	[sflag:s5] =	ssyncadd.s32 $0xFFFFD8F0  }
0x24: {  	[spmem:s2] =	stream.indirect.scatter.add.f32 [tilespmem:s6], [sflag:$0x1], $0x1, s3, s11, $0xb8;
	[tilespmem:$0x8F00] =	vst v63  }
0x25: {  	_ =	swait.ge [sflag:s16], $0x2710  }
0x26: {  	[sflag:s16] =	ssyncset.done $0x0  }
0x27: {  	s17 =	sadd.s32 $0x3AA6, s23;
	[sflag:s16] =	ssyncadd.s32 $0xFFFFD8F0  }
0x28: {  	[tilespmem:s13], [sflag:$0x3] =	stream.linear.gather [hbm4b:s17+s3], $0x2710, $0x38;
	[tilespmem:$0x8F00] =	vst v63  }
0x29: {  	_ =	swait.ge [sflag:s5], $0x2710  }
0x2a: {  	[sflag:s5] =	ssyncset.done $0x0  }
0x2b: {  	[sflag:s5] =	ssyncadd.s32 $0xFFFFD8F0  }
0x2c: {  	[spmem:s2] =	stream.indirect.scatter.add.f32 [tilespmem:s6], [sflag:$0x2], $0x1, s13, s11, $0xb8;
	[tilespmem:$0x8F00] =	vst v63  }
0x2d: {  	_ =	swait.ge [sflag:s14], $0x2710  }
0x2e: {  	[sflag:s14] =	ssyncset.done $0x0  }
0x2f: {  	s18 =	sadd.s32 $0x3F88, s23;
	[sflag:s14] =	ssyncadd.s32 $0xFFFFD8F0  }
0x30: {  	[tilespmem:s3], [sflag:$0x3] =	stream.linear.gather [hbm4b:s18+s3], $0x2710, $0x38;
	[tilespmem:$0x8F00] =	vst v63  }
0x31: {  	_ =	swait.ge [sflag:s5], $0x2710  }
0x32: {  	[sflag:s5] =	ssyncset.done $0x0  }
0x33: {  	[sflag:s5] =	ssyncadd.s32 $0xFFFFD8F0  }
0x34: {  	[spmem:s2] =	stream.indirect.scatter.add.f32 [tilespmem:s6], [sflag:$0x1], $0x1, s3, s11, $0xb8;
	[tilespmem:$0x8F00] =	vst v63  }
0x35: {  	_ =	swait.ge [sflag:s16], $0x2710  }
0x36: {  	[sflag:s16] =	ssyncset.done $0x0  }
0x37: {  	s19 =	sadd.s32 $0x446A, s23;
	[sflag:s16] =	ssyncadd.s32 $0xFFFFD8F0  }
0x38: {  	[tilespmem:s13], [sflag:$0x3] =	stream.linear.gather [hbm4b:s19+s3], $0x2710, $0x38;
	[tilespmem:$0x8F00] =	vst v63  }
0x39: {  	_ =	swait.ge [sflag:s5], $0x2710  }
0x3a: {  	[sflag:s5] =	ssyncset.done $0x0  }
0x3b: {  	[sflag:s5] =	ssyncadd.s32 $0xFFFFD8F0  }
0x3c: {  	[spmem:s2] =	stream.indirect.scatter.add.f32 [tilespmem:s6], [sflag:$0x2], $0x1, s13, s11, $0xb8;
	[tilespmem:$0x8F00] =	vst v63  }
0x3d: {  	_ =	swait.ge [sflag:s14], $0x2710  }
0x3e: {  	[sflag:s14] =	ssyncset.done $0x0  }
0x3f: {  	s20 =	sadd.s32 $0x494C, s23;
	[sflag:s14] =	ssyncadd.s32 $0xFFFFD8F0  }
0x40: {  	[tilespmem:s3], [sflag:$0x3] =	stream.linear.gather [hbm4b:s20+s3], $0x2710, $0x38;
	[tilespmem:$0x8F00] =	vst v63  }
0x41: {  	_ =	swait.ge [sflag:s5], $0x2710  }
0x42: {  	[sflag:s5] =	ssyncset.done $0x0  }
0x43: {  	[sflag:s5] =	ssyncadd.s32 $0xFFFFD8F0  }
0x44: {  	[spmem:s2] =	stream.indirect.scatter.add.f32 [tilespmem:s6], [sflag:$0x1], $0x1, s3, s11, $0xb8;
	[tilespmem:$0x8F00] =	vst v63  }
0x45: {  	_ =	swait.ge [sflag:s16], $0x2710  }
0x46: {  	[sflag:s16] =	ssyncset.done $0x0  }
0x47: {  	s21 =	sadd.s32 $0x4E2E, s23;
	[sflag:s16] =	ssyncadd.s32 $0xFFFFD8F0  }
0x48: {  	[tilespmem:s13], [sflag:$0x3] =	stream.linear.gather [hbm4b:s21+s3], $0x2710, $0x38;
	[tilespmem:$0x8F00] =	vst v63  }
0x49: {  	_ =	swait.ge [sflag:s5], $0x2710  }
0x4a: {  	[sflag:s5] =	ssyncset.done $0x0  }
0x4b: {  	[sflag:s5] =	ssyncadd.s32 $0xFFFFD8F0  }
0x4c: {  	[spmem:s2] =	stream.indirect.scatter.add.f32 [tilespmem:s6], [sflag:$0x2], $0x1, s13, s11, $0xb8;
	[tilespmem:$0x8F00] =	vst v63  }
0x4d: {  	_ =	swait.ge [sflag:s14], $0x2710  }
0x4e: {  	[sflag:s14] =	ssyncset.done $0x0  }
0x4f: {  	s22 =	sadd.s32 $0x5310, s23;
	[sflag:s14] =	ssyncadd.s32 $0xFFFFD8F0  }
0x50: {  	[tilespmem:s3], [sflag:$0x3] =	stream.linear.gather [hbm4b:s22+s3], $0x2710, $0x38;
	[tilespmem:$0x8F00] =	vst v63  }
0x51: {  	_ =	swait.ge [sflag:s5], $0x2710  }
0x52: {  	[sflag:s5] =	ssyncset.done $0x0  }
0x53: {  	[sflag:s5] =	ssyncadd.s32 $0xFFFFD8F0  }
0x54: {  	[spmem:s2] =	stream.indirect.scatter.add.f32 [tilespmem:s6], [sflag:$0x1], $0x1, s3, s11, $0xb8;
	[tilespmem:$0x8F00] =	vst v63  }
0x55: {  	_ =	swait.ge [sflag:s16], $0x2710  }
0x56: {  	[sflag:s16] =	ssyncset.done $0x0  }
0x57: {  	s23 =	sadd.s32 $0x57F2, s23;
	[sflag:s16] =	ssyncadd.s32 $0xFFFFD8F0  }
0x58: {  	[tilespmem:s13], [sflag:$0x3] =	stream.linear.gather [hbm4b:s23+s3], $0x2710, $0x38;
	[tilespmem:$0x8F00] =	vst v63  }
0x59: {  	_ =	swait.ge [sflag:s5], $0x2710  }
0x5a: {  	[sflag:s5] =	ssyncset.done $0x0  }
0x5b: {  	[sflag:s5] =	ssyncadd.s32 $0xFFFFD8F0  }
0x5c: {  	[spmem:s2] =	stream.indirect.scatter.add.f32 [tilespmem:s6], [sflag:$0x2], $0x1, s13, s11, $0xb8;
	[tilespmem:$0x8F00] =	vst v63  }
0x5d: {  	s28 =	smul.u32 $0x18800, s25;
	s25 =	ssub.s32 $0x2, s25;
	_ =	swait.ge [sflag:s14], $0x2710  }
0x5e: {  	s31 =	sshrl.u32 s25, $0x1;
	[sflag:s14] =	ssyncset.done $0x0  }
0x5f: {  	s25 =	ssub.s32 s25, s31;
	[sflag:s14] =	ssyncadd.s32 $0xFFFFD8F0  }
0x60: {  	s26 =	sadd.s32 s26, s28;
	s25 =	smax.u32 s25, $0x1;
	_ =	swait.ge [sflag:s16], $0x2710  }
0x61: {  	s26 =	sshrl.u32 s26, $0x3;
	p0 =	sne.s32 s25, $0x1;
	[sflag:s16] =	ssyncset.done $0x0  }
.Ltmp0:
0x62: {  	s24 =	sadd.s32 s26, s24;
	[sflag:s16] =	ssyncadd.s32 $0xFFFFD8F0;
	(pc) =	sbr.rel @!p0 .LBB2_2-.Ltmp0, $4  }
0x63: {  	s24 =	sadd.s32 $0xC6A00, s24;
	[bflag:$0x0] =	sbarrier.arrive $0xFFFF  }
0x64: {  	[hbm:s24], [sflag:s8] =	dma.local [spmem:s9], $0x310  }
0x65: {  	_ =	swait.ge [sflag:s5], $0x310  }
0x66: {  	s25 =	sadd.s32 $0xFFFFFFFF, s25;
	[sflag:s5] =	ssyncset.done $0x0  }
.LBB2_1:
0x67: {  	p0 =	sne.s32 s25, $0x1;
	s25 =	sadd.s32 $0xFFFFFFFF, s25;
	[sflag:s5] =	ssyncadd.s32 $0xFFFFFCF0  }
0x68: {  	[tilespmem:s6], [sflag:$0x3] =	stream.linear.gather [hbm4b:s4+s3], $0x2780, $0x38;
	[tilespmem:$0x8F00] =	vst v63  }
0x69: {  	_ =	swait.ge [sflag:s5], $0x2780  }
0x6a: {  	[sflag:s5] =	ssyncset.done $0x0  }
0x6b: {  	[sflag:s5] =	ssyncadd.s32 $0xFFFFD880  }
0x6c: {  	[spmem:s9], [sflag:s8] =	dma.local [hbm:s7], $0x310  }
0x6d: {  	_ =	swait.ge [sflag:s5], $0x310  }
0x6e: {  	[sflag:s5] =	ssyncset.done $0x0  }
0x6f: {  	[sflag:s5] =	ssyncadd.s32 $0xFFFFFCF0  }
0x70: {  	[bflag:$0x0] =	sbarrier.arrive $0xFFFF  }
0x71: {  	[tilespmem:s3], [sflag:$0x3] =	stream.linear.gather [hbm4b:s10+s3], $0x2710, $0x38;
	[tilespmem:$0x8F00] =	vst v63  }
0x72: {  	_ =	swait.ge [sflag:s5], $0x2710  }
0x73: {  	[sflag:s5] =	ssyncset.done $0x0  }
0x74: {  	[sflag:s5] =	ssyncadd.s32 $0xFFFFD8F0  }
0x75: {  	[spmem:s2] =	stream.indirect.scatter.add.f32 [tilespmem:s6], [sflag:$0x1], $0x1, s3, s11, $0xb8;
	[tilespmem:$0x8F00] =	vst v63  }
0x76: {  	_ = 	snop  }
0x77: {  	[tilespmem:s13], [sflag:$0x3] =	stream.linear.gather [hbm4b:s12+s3], $0x2710, $0x38;
	[tilespmem:$0x8F00] =	vst v63  }
0x78: {  	_ =	swait.ge [sflag:s5], $0x2710  }
0x79: {  	[sflag:s5] =	ssyncset.done $0x0  }
0x7a: {  	[sflag:s5] =	ssyncadd.s32 $0xFFFFD8F0  }
0x7b: {  	[spmem:s2] =	stream.indirect.scatter.add.f32 [tilespmem:s6], [sflag:$0x2], $0x1, s13, s11, $0xb8;
	[tilespmem:$0x8F00] =	vst v63  }
0x7c: {  	_ =	swait.ge [sflag:s14], $0x2710  }
0x7d: {  	[sflag:s14] =	ssyncset.done $0x0  }
0x7e: {  	[sflag:s14] =	ssyncadd.s32 $0xFFFFD8F0  }
0x7f: {  	[tilespmem:s3], [sflag:$0x3] =	stream.linear.gather [hbm4b:s15+s3], $0x2710, $0x38;
	[tilespmem:$0x8F00] =	vst v63  }
0x80: {  	_ =	swait.ge [sflag:s5], $0x2710  }
0x81: {  	[sflag:s5] =	ssyncset.done $0x0  }
0x82: {  	[sflag:s5] =	ssyncadd.s32 $0xFFFFD8F0  }
0x83: {  	[spmem:s2] =	stream.indirect.scatter.add.f32 [tilespmem:s6], [sflag:$0x1], $0x1, s3, s11, $0xb8;
	[tilespmem:$0x8F00] =	vst v63  }
0x84: {  	_ =	swait.ge [sflag:s16], $0x2710  }
0x85: {  	[sflag:s16] =	ssyncset.done $0x0  }
0x86: {  	[sflag:s16] =	ssyncadd.s32 $0xFFFFD8F0  }
0x87: {  	[tilespmem:s13], [sflag:$0x3] =	stream.linear.gather [hbm4b:s17+s3], $0x2710, $0x38;
	[tilespmem:$0x8F00] =	vst v63  }
0x88: {  	_ =	swait.ge [sflag:s5], $0x2710  }
0x89: {  	[sflag:s5] =	ssyncset.done $0x0  }
0x8a: {  	[sflag:s5] =	ssyncadd.s32 $0xFFFFD8F0  }
0x8b: {  	[spmem:s2] =	stream.indirect.scatter.add.f32 [tilespmem:s6], [sflag:$0x2], $0x1, s13, s11, $0xb8;
	[tilespmem:$0x8F00] =	vst v63  }
0x8c: {  	_ =	swait.ge [sflag:s14], $0x2710  }
0x8d: {  	[sflag:s14] =	ssyncset.done $0x0  }
0x8e: {  	[sflag:s14] =	ssyncadd.s32 $0xFFFFD8F0  }
0x8f: {  	[tilespmem:s3], [sflag:$0x3] =	stream.linear.gather [hbm4b:s18+s3], $0x2710, $0x38;
	[tilespmem:$0x8F00] =	vst v63  }
0x90: {  	_ =	swait.ge [sflag:s5], $0x2710  }
0x91: {  	[sflag:s5] =	ssyncset.done $0x0  }
0x92: {  	[sflag:s5] =	ssyncadd.s32 $0xFFFFD8F0  }
0x93: {  	[spmem:s2] =	stream.indirect.scatter.add.f32 [tilespmem:s6], [sflag:$0x1], $0x1, s3, s11, $0xb8;
	[tilespmem:$0x8F00] =	vst v63  }
0x94: {  	_ =	swait.ge [sflag:s16], $0x2710  }
0x95: {  	[sflag:s16] =	ssyncset.done $0x0  }
0x96: {  	[sflag:s16] =	ssyncadd.s32 $0xFFFFD8F0  }
0x97: {  	[tilespmem:s13], [sflag:$0x3] =	stream.linear.gather [hbm4b:s19+s3], $0x2710, $0x38;
	[tilespmem:$0x8F00] =	vst v63  }
0x98: {  	_ =	swait.ge [sflag:s5], $0x2710  }
0x99: {  	[sflag:s5] =	ssyncset.done $0x0  }
0x9a: {  	[sflag:s5] =	ssyncadd.s32 $0xFFFFD8F0  }
0x9b: {  	[spmem:s2] =	stream.indirect.scatter.add.f32 [tilespmem:s6], [sflag:$0x2], $0x1, s13, s11, $0xb8;
	[tilespmem:$0x8F00] =	vst v63  }
0x9c: {  	_ =	swait.ge [sflag:s14], $0x2710  }
0x9d: {  	[sflag:s14] =	ssyncset.done $0x0  }
0x9e: {  	[sflag:s14] =	ssyncadd.s32 $0xFFFFD8F0  }
0x9f: {  	[tilespmem:s3], [sflag:$0x3] =	stream.linear.gather [hbm4b:s20+s3], $0x2710, $0x38;
	[tilespmem:$0x8F00] =	vst v63  }
0xa0: {  	_ =	swait.ge [sflag:s5], $0x2710  }
0xa1: {  	[sflag:s5] =	ssyncset.done $0x0  }
0xa2: {  	[sflag:s5] =	ssyncadd.s32 $0xFFFFD8F0  }
0xa3: {  	[spmem:s2] =	stream.indirect.scatter.add.f32 [tilespmem:s6], [sflag:$0x1], $0x1, s3, s11, $0xb8;
	[tilespmem:$0x8F00] =	vst v63  }
0xa4: {  	_ =	swait.ge [sflag:s16], $0x2710  }
0xa5: {  	[sflag:s16] =	ssyncset.done $0x0  }
0xa6: {  	[sflag:s16] =	ssyncadd.s32 $0xFFFFD8F0  }
0xa7: {  	[tilespmem:s13], [sflag:$0x3] =	stream.linear.gather [hbm4b:s21+s3], $0x2710, $0x38;
	[tilespmem:$0x8F00] =	vst v63  }
0xa8: {  	_ =	swait.ge [sflag:s5], $0x2710  }
0xa9: {  	[sflag:s5] =	ssyncset.done $0x0  }
0xaa: {  	[sflag:s5] =	ssyncadd.s32 $0xFFFFD8F0  }
0xab: {  	[spmem:s2] =	stream.indirect.scatter.add.f32 [tilespmem:s6], [sflag:$0x2], $0x1, s13, s11, $0xb8;
	[tilespmem:$0x8F00] =	vst v63  }
0xac: {  	_ =	swait.ge [sflag:s14], $0x2710  }
0xad: {  	[sflag:s14] =	ssyncset.done $0x0  }
0xae: {  	[sflag:s14] =	ssyncadd.s32 $0xFFFFD8F0  }
0xaf: {  	[tilespmem:s3], [sflag:$0x3] =	stream.linear.gather [hbm4b:s22+s3], $0x2710, $0x38;
	[tilespmem:$0x8F00] =	vst v63  }
0xb0: {  	_ =	swait.ge [sflag:s5], $0x2710  }
0xb1: {  	[sflag:s5] =	ssyncset.done $0x0  }
0xb2: {  	[sflag:s5] =	ssyncadd.s32 $0xFFFFD8F0  }
0xb3: {  	[spmem:s2] =	stream.indirect.scatter.add.f32 [tilespmem:s6], [sflag:$0x1], $0x1, s3, s11, $0xb8;
	[tilespmem:$0x8F00] =	vst v63  }
0xb4: {  	_ =	swait.ge [sflag:s16], $0x2710  }
0xb5: {  	[sflag:s16] =	ssyncset.done $0x0  }
0xb6: {  	[sflag:s16] =	ssyncadd.s32 $0xFFFFD8F0  }
0xb7: {  	[tilespmem:s13], [sflag:$0x3] =	stream.linear.gather [hbm4b:s23+s3], $0x2710, $0x38;
	[tilespmem:$0x8F00] =	vst v63  }
0xb8: {  	_ =	swait.ge [sflag:s5], $0x2710  }
0xb9: {  	[sflag:s5] =	ssyncset.done $0x0  }
0xba: {  	[sflag:s5] =	ssyncadd.s32 $0xFFFFD8F0  }
0xbb: {  	[spmem:s2] =	stream.indirect.scatter.add.f32 [tilespmem:s6], [sflag:$0x2], $0x1, s13, s11, $0xb8;
	[tilespmem:$0x8F00] =	vst v63  }
0xbc: {  	_ =	swait.ge [sflag:s14], $0x2710  }
0xbd: {  	[sflag:s14] =	ssyncset.done $0x0  }
0xbe: {  	[sflag:s14] =	ssyncadd.s32 $0xFFFFD8F0  }
0xbf: {  	_ =	swait.ge [sflag:s16], $0x2710  }
0xc0: {  	[sflag:s16] =	ssyncset.done $0x0  }
.Ltmp1:
0xc1: {  	[sflag:s16] =	ssyncadd.s32 $0xFFFFD8F0;
	(pc) =	sbr.rel @p0 .LBB2_1-.Ltmp1, $4  }
0xc2: {  	[bflag:$0x0] =	sbarrier.arrive $0xFFFF  }
0xc3: {  	[hbm:s24], [sflag:s8] =	dma.local [spmem:s9], $0x310  }
0xc4: {  	_ =	swait.ge [sflag:s5], $0x310  }
0xc5: {  	[sflag:s5] =	ssyncset.done $0x0  }
.LBB2_2:
0xc6: {  	[sflag:s5] =	ssyncadd.s32 $0xFFFFFCF0  }
0xc7: {  	_ =	sfence.sel $0x180000  }
0xc8: {  	[bflag:$0x0] =	sbarrier.arrive $0xFFFF  }
0xc9: {  	p0 =	sne.s32 s1, $0x0;
	_ =	strace $0x90000047  }
0xca: {  	s0 =	sadd.s32 @!p0 $0x100000, s0;
	[bflag:$0x2] =	sbarrier.arrive $0xFFFF  }
0xcb: {  	[sflag:s0] =	ssyncadd.tile.s32 @!p0 $0x1;
	_ =	shalt  }
.Lfunc_end2:
_tile_overlayer_lowered:
.L_overlay_start_2:
0xcc: {  	(tag) =	ssettag $0x2  }
0xcd: {  	s0 =	rddreg [dreg:$0x0];
	s2 =	stileid.u32  }
0xce: {  	s1 =	rddreg [dreg:$0x1];
	p0 =	sne.s32 s2, $0x0  }
0xcf: {  	s3 =	rddreg [dreg:$0x2];
	[bflag:$0x3] =	sbarrier.arrive $0xFFFF;
	s2 =	simm.s32 @!p0 $0x1C03  }
0xd0: {  	[timem:s3], [sflag:s2] =	dma.local @!p0 [hbm:s0], s1  }
0xd1: {  	s0 =	simm.s32 @!p0 $0x3  }
0xd2: {  	_ =	swait.ge @!p0 [sflag:s0], s1  }
0xd3: {  	s1 =	ssub.s32 @!p0 $0x0, s1;
	[sflag:s0] =	ssyncset.done @!p0 $0x0  }
0xd4: {  	[sflag:s0] =	ssyncadd.s32 @!p0 s1  }
0xd5: {  	[bflag:$0x3] =	sbarrier.arrive $0xFFFF  }
0xd6: {  	_ =	shalt  }

</sc_bundles>
